<compile_context>
chip_gen: v7x
topology: tpu7x:2x2x1
jax: 0.10.2.dev20260603
libtpu: 0.0.44.dev20260713+nightly
codegen_flags: <defaults>
</compile_context>

<pallas_src>
import functools

import jax
import jax.numpy as jnp
from jax import lax
from jax.experimental import pallas as pl
from jax.experimental.pallas import tpu as pltpu
from jax.experimental.pallas import tpu_sc as plsc

N_STAGES = 4
K = 8192
D = 32
TILE = 256


H = K // 2


def _stage_kernel(x_ref, et_ref, qv_refs, out_ref, et2b_ref, e2_ref, w_ref):
    @pl.when(pl.program_id(0) == 0)
    def _():
        et = et_ref[...]
        et2b_ref[...] = (et + et).astype(jnp.bfloat16)
        e2_ref[...] = jnp.sum(et * et, axis=0, keepdims=True)
        row = lax.broadcasted_iota(jnp.int32, (2 * H, 128), 0)
        col = lax.broadcasted_iota(jnp.int32, (2 * H, 128), 1)
        w = jnp.where(col == 0, row >> 6,
                      jnp.where(col == 1, row & 63,
                                jnp.where(col == 2, 1, 0)))
        w_ref[...] = w.astype(jnp.bfloat16)

    xt = x_ref[...]
    for qv_ref in qv_refs:
        xt = xt - qv_ref[:, :D]
    x2 = jnp.sum(xt * xt, axis=1, keepdims=True)
    s2 = jnp.dot(xt.astype(jnp.bfloat16), et2b_ref[...],
                 preferred_element_type=jnp.float32)
    dist = (x2 - s2) + e2_ref[...]
    d0 = dist[:, :H]
    d1 = dist[:, H:]
    m0 = jnp.min(d0, axis=1, keepdims=True)
    m1 = jnp.min(d1, axis=1, keepdims=True)
    take = m1 < m0.astype(jnp.bfloat16).astype(jnp.float32)
    dwin = jnp.where(take, d1, d0)
    mwin = jnp.where(take, m1, m0)
    mask = (dwin == mwin).astype(jnp.bfloat16)
    r = jnp.dot(mask, w_ref[:H], preferred_element_type=jnp.float32)
    base = jnp.where(take[:, 0], H, 0)
    idx = r[:, 0].astype(jnp.int32) * 64 + r[:, 1].astype(jnp.int32)
    out_ref[0, :] = idx + base

    @pl.when(jnp.max(r[:, 2]) > 1.5)
    def _():
        iota = lax.broadcasted_iota(jnp.int32, (TILE, H), 1)
        iw = jnp.min(jnp.where(dwin == mwin, iota, K), axis=1)
        out_ref[0, :] = iw + base


def _tc_stage(n_prev, n, xf, et_q, qvs):
    body = lambda x_ref, et_ref, *rest: _stage_kernel(
        x_ref, et_ref, rest[:-4], rest[-4], rest[-3], rest[-2], rest[-1])
    out = pl.pallas_call(
        body,
        grid=(n // TILE,),
        in_specs=[pl.BlockSpec((TILE, D), lambda i: (i, 0)),
                  pl.BlockSpec((D, K), lambda i: (0, 0))]
        + [pl.BlockSpec((TILE, 128), lambda i: (i, 0))] * n_prev,
        out_specs=pl.BlockSpec((1, TILE), lambda i: (0, i)),
        out_shape=jax.ShapeDtypeStruct((1, n), jnp.int32),
        scratch_shapes=[pltpu.VMEM((D, K), jnp.bfloat16),
                        pltpu.VMEM((1, K), jnp.float32),
                        pltpu.VMEM((2 * H, 128), jnp.bfloat16)],
    )(xf, et_q, *qvs)
    return out[0]


def _make_sc_gather(n):
    info = plsc.get_sparse_core_info()
    nw = info.num_cores * info.num_subcores
    bpw = n // nw
    mesh = plsc.VectorSubcoreMesh(core_axis_name="c", subcore_axis_name="s")

    @functools.partial(
        pl.kernel, mesh=mesh,
        out_type=jax.ShapeDtypeStruct((n, 128), jnp.float32),
        scratch_types=[
            pltpu.VMEM((bpw,), jnp.int32),
            pltpu.VMEM((bpw, 128), jnp.float32),
            pltpu.SemaphoreType.DMA,
        ],
    )
    def gather_rows(table_hbm, idx_hbm, out_hbm, idx_v, rows_v, sem):
        wid = lax.axis_index("s") * info.num_cores + lax.axis_index("c")
        base = wid * bpw
        pltpu.sync_copy(idx_hbm.at[pl.ds(base, bpw)], idx_v)
        pltpu.async_copy(table_hbm.at[idx_v], rows_v, sem).wait()
        pltpu.sync_copy(rows_v, out_hbm.at[pl.ds(base, bpw)])

    return gather_rows


def kernel(x, embed):
    b, d, t = x.shape
    n = b * t
    xf = jnp.transpose(x, (0, 2, 1)).reshape(n, d)
    et = jnp.transpose(embed, (0, 2, 1))
    sc_gather = _make_sc_gather(n)
    embed_pad = jnp.pad(embed, ((0, 0), (0, 0), (0, 128 - D)))
    idxs = []
    qvs = []
    for q in range(N_STAGES):
        idx_q = _tc_stage(q, n, xf, et[q], qvs)
        idxs.append(idx_q)
        if q < N_STAGES - 1:
            qvs.append(sc_gather(embed_pad[q], idx_q))
    out = jnp.stack(idxs, axis=0)
    return jnp.transpose(out.reshape(N_STAGES, b, t), (1, 0, 2))

# --- scband reference (transcript-rebuilt; emitter-appended) ---
"""Pipeline reference for scband-simple-quantizer-15470472200272 (READ-ONLY COPY).

The authoritative reference and input builder live on the scoring server;
editing this copy changes nothing except your own understanding.
"""

import jax, jax.numpy as jnp
import numpy as np


def closest_code(x, embed):
    # x: [B, D, T], embed: [K, D]
    batch_size = x.shape[0]
    xf = jnp.transpose(x, (0, 2, 1)).reshape(-1, x.shape[1])  # [B*T, D]
    et = embed.T  # [D, K]
    distance = (jnp.sum(xf ** 2, axis=1, keepdims=True)
                - 2.0 * (xf @ et)
                + jnp.sum(et ** 2, axis=0, keepdims=True))  # [B*T, K]
    return jnp.argmin(distance, axis=-1).reshape(batch_size, -1)  # [B, T]


def setup_inputs(seed: int = 0) -> dict:
    key = jax.random.key(seed)
    k1, k2 = jax.random.split(key)
    x = jax.random.normal(k1, (16, 32, 1024), dtype=jnp.float32)
    # stacked codebooks: [n_quantizers=4, n_codes=8192, code_dim=32]
    embed = jax.random.normal(k2, (4, 8192, 32), dtype=jnp.float32)
    return {"x": x, "embed": embed}


def reference(x, embed):
    # residual_quantize: iteratively pick nearest code, subtract, collect indices
    index = []
    for i in range(embed.shape[0]):
        e = embed[i]  # [K, D]
        embed_ind = closest_code(x, e)  # [B, T] int
        q = jnp.transpose(jnp.take(e, embed_ind, axis=0), (0, 2, 1))  # [B, D, T]
        x = x - q
        index.append(embed_ind)
    return jnp.stack(index, axis=1)  # [B, n_quantizers, T]

if __name__ == "__main__":
    import jax
    _d = setup_inputs()
    print(jax.jit(kernel)(*tuple(_d.values())))

</pallas_src>

<mosaic_0001>
#map = affine_map<(d0, d1) -> (0, 0)>
#map1 = affine_map<(d0, d1) -> (0)>
module attributes {stable_mosaic.version = 14 : i64} {
  func.func @gather_rows(%arg0: i32, %arg1: i32, %arg2: memref<8192x128xf32, #tpu.memory_space<hbm>>, %arg3: memref<16384xi32, #tpu.memory_space<hbm>>, %arg4: memref<16384x128xf32, #tpu.memory_space<hbm>>, %arg5: memref<512xi32, #tpu.memory_space<vmem>>, %arg6: memref<512x128xf32, #tpu.memory_space<vmem>>, %arg7: memref<!tpu.dma_semaphore, #tpu.memory_space<semaphore_mem>>) attributes {dimension_semantics = [#tpu.dimension_semantics<core_parallel>, #tpu.dimension_semantics<subcore_parallel>], iteration_bounds = array<i64: 2, 16>, scalar_prefetch = 0 : i64, scratch_operands = 3 : i64, tpu.core_type = #tpu.core_type<sc_vector_subcore>, window_params = [{transform_indices = #map}, {transform_indices = #map1}, {transform_indices = #map}]} {
    %mul3A = arith.constant 2 : i32
    %mul3A_0 = arith.muli %arg1, %mul3A : i32
    %add3A = arith.addi %mul3A_0, %arg0 : i32
    %mul3A_1 = arith.constant 512 : i32
    %mul3A_2 = arith.muli %add3A, %mul3A_1 : i32
    "tpu.region"() ({
      %run_scoped3A = tpu.sem_alloc : memref<!tpu.dma_semaphore, #tpu.memory_space<semaphore_mem>>
      %dma_start3A_7 = tpu.memref_slice %arg3[%mul3A_2] : memref<16384xi32, #tpu.memory_space<hbm>> -> memref<512xi32, #tpu.memory_space<hbm>>
      %dma_start3A_8 = tpu.memref_slice %arg3[%mul3A_2] : memref<16384xi32, #tpu.memory_space<hbm>> -> memref<512xi32, #tpu.memory_space<hbm>>
      tpu.enqueue_dma source(%dma_start3A_8 : memref<512xi32, #tpu.memory_space<hbm>>) target(%arg5 : memref<512xi32, #tpu.memory_space<vmem>>) target_semaphore(%run_scoped3A : memref<!tpu.dma_semaphore, #tpu.memory_space<semaphore_mem>>)
      %dma_wait3A_9 = tpu.memref_slice %arg3[%mul3A_2] : memref<16384xi32, #tpu.memory_space<hbm>> -> memref<512xi32, #tpu.memory_space<hbm>>
      %dma_wait3A_10 = tpu.memref_slice %arg3[%mul3A_2] : memref<16384xi32, #tpu.memory_space<hbm>> -> memref<512xi32, #tpu.memory_space<hbm>>
      tpu.wait_dma2 semaphore(%run_scoped3A : memref<!tpu.dma_semaphore, #tpu.memory_space<semaphore_mem>>) src(%dma_wait3A_10 : memref<512xi32, #tpu.memory_space<hbm>>) dst(%arg5 : memref<512xi32, #tpu.memory_space<vmem>>)
      tpu.yield
    }) : () -> ()
    %dma_start3A = arith.constant 0 : i32
    %dma_start3A_3 = arith.constant 0 : i32
    %dma_start3A_4 = tpu.memref_slice %arg2[%dma_start3A, %dma_start3A_3] : memref<8192x128xf32, #tpu.memory_space<hbm>> -> memref<8192x128xf32, #tpu.memory_space<hbm>>
    tpu.enqueue_indirect_dma source(%dma_start3A_4 : memref<8192x128xf32, #tpu.memory_space<hbm>>) target(%arg6 : memref<512x128xf32, #tpu.memory_space<vmem>>) offsets(%arg5 : memref<512xi32, #tpu.memory_space<vmem>>) semaphore(%arg7 : memref<!tpu.dma_semaphore, #tpu.memory_space<semaphore_mem>>)
    %dma_wait3A = arith.constant 0 : i32
    %dma_wait3A_5 = arith.constant 0 : i32
    %dma_wait3A_6 = tpu.memref_slice %arg2[%dma_wait3A, %dma_wait3A_5] : memref<8192x128xf32, #tpu.memory_space<hbm>> -> memref<8192x128xf32, #tpu.memory_space<hbm>>
    tpu.wait_indirect_dma semaphore(%arg7 : memref<!tpu.dma_semaphore, #tpu.memory_space<semaphore_mem>>) src(%dma_wait3A_6 : memref<8192x128xf32, #tpu.memory_space<hbm>>) dst(%arg6 : memref<512x128xf32, #tpu.memory_space<vmem>>)
    "tpu.region"() ({
      %run_scoped3A = tpu.sem_alloc : memref<!tpu.dma_semaphore, #tpu.memory_space<semaphore_mem>>
      %dma_start3A_7 = arith.constant 0 : i32
      %dma_start3A_8 = tpu.memref_slice %arg4[%mul3A_2, %dma_start3A_7] : memref<16384x128xf32, #tpu.memory_space<hbm>> -> memref<512x128xf32, #tpu.memory_space<hbm>>
      %dma_start3A_9 = arith.constant 0 : i32
      %dma_start3A_10 = tpu.memref_slice %arg4[%mul3A_2, %dma_start3A_9] : memref<16384x128xf32, #tpu.memory_space<hbm>> -> memref<512x128xf32, #tpu.memory_space<hbm>>
      tpu.enqueue_dma source(%arg6 : memref<512x128xf32, #tpu.memory_space<vmem>>) target(%dma_start3A_10 : memref<512x128xf32, #tpu.memory_space<hbm>>) target_semaphore(%run_scoped3A : memref<!tpu.dma_semaphore, #tpu.memory_space<semaphore_mem>>)
      %dma_wait3A_11 = arith.constant 0 : i32
      %dma_wait3A_12 = tpu.memref_slice %arg4[%mul3A_2, %dma_wait3A_11] : memref<16384x128xf32, #tpu.memory_space<hbm>> -> memref<512x128xf32, #tpu.memory_space<hbm>>
      %dma_wait3A_13 = arith.constant 0 : i32
      %dma_wait3A_14 = tpu.memref_slice %arg4[%mul3A_2, %dma_wait3A_13] : memref<16384x128xf32, #tpu.memory_space<hbm>> -> memref<512x128xf32, #tpu.memory_space<hbm>>
      tpu.wait_dma2 semaphore(%run_scoped3A : memref<!tpu.dma_semaphore, #tpu.memory_space<semaphore_mem>>) src(%arg6 : memref<512x128xf32, #tpu.memory_space<vmem>>) dst(%dma_wait3A_14 : memref<512x128xf32, #tpu.memory_space<hbm>>)
      tpu.yield
    }) : () -> ()
    return
  }
}

#map = affine_map<(d0, d1) -> (0, 0)>
#map1 = affine_map<(d0, d1) -> (0)>
module attributes {stable_mosaic.version = 14 : i64} {
  func.func @gather_rows(%arg0: i32, %arg1: i32, %arg2: memref<8192x128xf32, #tpu.memory_space<hbm>>, %arg3: memref<16384xi32, #tpu.memory_space<hbm>>, %arg4: memref<16384x128xf32, #tpu.memory_space<hbm>>, %arg5: memref<512xi32, #tpu.memory_space<vmem>>, %arg6: memref<512x128xf32, #tpu.memory_space<vmem>>, %arg7: memref<!tpu.dma_semaphore, #tpu.memory_space<semaphore_mem>>) attributes {dimension_semantics = [#tpu.dimension_semantics<core_parallel>, #tpu.dimension_semantics<subcore_parallel>], iteration_bounds = array<i64: 2, 16>, scalar_prefetch = 0 : i64, scratch_operands = 3 : i64, tpu.core_type = #tpu.core_type<sc_vector_subcore>, window_params = [{transform_indices = #map}, {transform_indices = #map1}, {transform_indices = #map}]} {
    %mul3A = arith.constant 2 : i32
    %mul3A_0 = arith.muli %arg1, %mul3A : i32
    %add3A = arith.addi %mul3A_0, %arg0 : i32
    %mul3A_1 = arith.constant 512 : i32
    %mul3A_2 = arith.muli %add3A, %mul3A_1 : i32
    "tpu.region"() ({
      %run_scoped3A = tpu.sem_alloc : memref<!tpu.dma_semaphore, #tpu.memory_space<semaphore_mem>>
      %dma_start3A_7 = tpu.memref_slice %arg3[%mul3A_2] : memref<16384xi32, #tpu.memory_space<hbm>> -> memref<512xi32, #tpu.memory_space<hbm>>
      %dma_start3A_8 = tpu.memref_slice %arg3[%mul3A_2] : memref<16384xi32, #tpu.memory_space<hbm>> -> memref<512xi32, #tpu.memory_space<hbm>>
      tpu.enqueue_dma source(%dma_start3A_8 : memref<512xi32, #tpu.memory_space<hbm>>) target(%arg5 : memref<512xi32, #tpu.memory_space<vmem>>) target_semaphore(%run_scoped3A : memref<!tpu.dma_semaphore, #tpu.memory_space<semaphore_mem>>)
      %dma_wait3A_9 = tpu.memref_slice %arg3[%mul3A_2] : memref<16384xi32, #tpu.memory_space<hbm>> -> memref<512xi32, #tpu.memory_space<hbm>>
      %dma_wait3A_10 = tpu.memref_slice %arg3[%mul3A_2] : memref<16384xi32, #tpu.memory_space<hbm>> -> memref<512xi32, #tpu.memory_space<hbm>>
      tpu.wait_dma2 semaphore(%run_scoped3A : memref<!tpu.dma_semaphore, #tpu.memory_space<semaphore_mem>>) src(%dma_wait3A_10 : memref<512xi32, #tpu.memory_space<hbm>>) dst(%arg5 : memref<512xi32, #tpu.memory_space<vmem>>)
      tpu.yield
    }) : () -> ()
    %dma_start3A = arith.constant 0 : i32
    %dma_start3A_3 = arith.constant 0 : i32
    %dma_start3A_4 = tpu.memref_slice %arg2[%dma_start3A, %dma_start3A_3] : memref<8192x128xf32, #tpu.memory_space<hbm>> -> memref<8192x128xf32, #tpu.memory_space<hbm>>
    tpu.enqueue_indirect_dma source(%dma_start3A_4 : memref<8192x128xf32, #tpu.memory_space<hbm>>) target(%arg6 : memref<512x128xf32, #tpu.memory_space<vmem>>) offsets(%arg5 : memref<512xi32, #tpu.memory_space<vmem>>) semaphore(%arg7 : memref<!tpu.dma_semaphore, #tpu.memory_space<semaphore_mem>>)
    %dma_wait3A = arith.constant 0 : i32
    %dma_wait3A_5 = arith.constant 0 : i32
    %dma_wait3A_6 = tpu.memref_slice %arg2[%dma_wait3A, %dma_wait3A_5] : memref<8192x128xf32, #tpu.memory_space<hbm>> -> memref<8192x128xf32, #tpu.memory_space<hbm>>
    tpu.wait_indirect_dma semaphore(%arg7 : memref<!tpu.dma_semaphore, #tpu.memory_space<semaphore_mem>>) src(%dma_wait3A_6 : memref<8192x128xf32, #tpu.memory_space<hbm>>) dst(%arg6 : memref<512x128xf32, #tpu.memory_space<vmem>>)
    "tpu.region"() ({
      %run_scoped3A = tpu.sem_alloc : memref<!tpu.dma_semaphore, #tpu.memory_space<semaphore_mem>>
      %dma_start3A_7 = arith.constant 0 : i32
      %dma_start3A_8 = tpu.memref_slice %arg4[%mul3A_2, %dma_start3A_7] : memref<16384x128xf32, #tpu.memory_space<hbm>> -> memref<512x128xf32, #tpu.memory_space<hbm>>
      %dma_start3A_9 = arith.constant 0 : i32
      %dma_start3A_10 = tpu.memref_slice %arg4[%mul3A_2, %dma_start3A_9] : memref<16384x128xf32, #tpu.memory_space<hbm>> -> memref<512x128xf32, #tpu.memory_space<hbm>>
      tpu.enqueue_dma source(%arg6 : memref<512x128xf32, #tpu.memory_space<vmem>>) target(%dma_start3A_10 : memref<512x128xf32, #tpu.memory_space<hbm>>) target_semaphore(%run_scoped3A : memref<!tpu.dma_semaphore, #tpu.memory_space<semaphore_mem>>)
      %dma_wait3A_11 = arith.constant 0 : i32
      %dma_wait3A_12 = tpu.memref_slice %arg4[%mul3A_2, %dma_wait3A_11] : memref<16384x128xf32, #tpu.memory_space<hbm>> -> memref<512x128xf32, #tpu.memory_space<hbm>>
      %dma_wait3A_13 = arith.constant 0 : i32
      %dma_wait3A_14 = tpu.memref_slice %arg4[%mul3A_2, %dma_wait3A_13] : memref<16384x128xf32, #tpu.memory_space<hbm>> -> memref<512x128xf32, #tpu.memory_space<hbm>>
      tpu.wait_dma2 semaphore(%run_scoped3A : memref<!tpu.dma_semaphore, #tpu.memory_space<semaphore_mem>>) src(%arg6 : memref<512x128xf32, #tpu.memory_space<vmem>>) dst(%dma_wait3A_14 : memref<512x128xf32, #tpu.memory_space<hbm>>)
      tpu.yield
    }) : () -> ()
    return
  }
}

#map = affine_map<(d0, d1) -> (0, 0)>
#map1 = affine_map<(d0, d1) -> (0)>
module attributes {stable_mosaic.version = 14 : i64} {
  func.func @gather_rows(%arg0: i32, %arg1: i32, %arg2: memref<8192x128xf32, #tpu.memory_space<hbm>>, %arg3: memref<16384xi32, #tpu.memory_space<hbm>>, %arg4: memref<16384x128xf32, #tpu.memory_space<hbm>>, %arg5: memref<512xi32, #tpu.memory_space<vmem>>, %arg6: memref<512x128xf32, #tpu.memory_space<vmem>>, %arg7: memref<!tpu.dma_semaphore, #tpu.memory_space<semaphore_mem>>) attributes {dimension_semantics = [#tpu.dimension_semantics<core_parallel>, #tpu.dimension_semantics<subcore_parallel>], iteration_bounds = array<i64: 2, 16>, scalar_prefetch = 0 : i64, scratch_operands = 3 : i64, tpu.core_type = #tpu.core_type<sc_vector_subcore>, window_params = [{transform_indices = #map}, {transform_indices = #map1}, {transform_indices = #map}]} {
    %mul3A = arith.constant 2 : i32
    %mul3A_0 = arith.muli %arg1, %mul3A : i32
    %add3A = arith.addi %mul3A_0, %arg0 : i32
    %mul3A_1 = arith.constant 512 : i32
    %mul3A_2 = arith.muli %add3A, %mul3A_1 : i32
    "tpu.region"() ({
      %run_scoped3A = tpu.sem_alloc : memref<!tpu.dma_semaphore, #tpu.memory_space<semaphore_mem>>
      %dma_start3A_7 = tpu.memref_slice %arg3[%mul3A_2] : memref<16384xi32, #tpu.memory_space<hbm>> -> memref<512xi32, #tpu.memory_space<hbm>>
      %dma_start3A_8 = tpu.memref_slice %arg3[%mul3A_2] : memref<16384xi32, #tpu.memory_space<hbm>> -> memref<512xi32, #tpu.memory_space<hbm>>
      tpu.enqueue_dma source(%dma_start3A_8 : memref<512xi32, #tpu.memory_space<hbm>>) target(%arg5 : memref<512xi32, #tpu.memory_space<vmem>>) target_semaphore(%run_scoped3A : memref<!tpu.dma_semaphore, #tpu.memory_space<semaphore_mem>>)
      %dma_wait3A_9 = tpu.memref_slice %arg3[%mul3A_2] : memref<16384xi32, #tpu.memory_space<hbm>> -> memref<512xi32, #tpu.memory_space<hbm>>
      %dma_wait3A_10 = tpu.memref_slice %arg3[%mul3A_2] : memref<16384xi32, #tpu.memory_space<hbm>> -> memref<512xi32, #tpu.memory_space<hbm>>
      tpu.wait_dma2 semaphore(%run_scoped3A : memref<!tpu.dma_semaphore, #tpu.memory_space<semaphore_mem>>) src(%dma_wait3A_10 : memref<512xi32, #tpu.memory_space<hbm>>) dst(%arg5 : memref<512xi32, #tpu.memory_space<vmem>>)
      tpu.yield
    }) : () -> ()
    %dma_start3A = arith.constant 0 : i32
    %dma_start3A_3 = arith.constant 0 : i32
    %dma_start3A_4 = tpu.memref_slice %arg2[%dma_start3A, %dma_start3A_3] : memref<8192x128xf32, #tpu.memory_space<hbm>> -> memref<8192x128xf32, #tpu.memory_space<hbm>>
    tpu.enqueue_indirect_dma source(%dma_start3A_4 : memref<8192x128xf32, #tpu.memory_space<hbm>>) target(%arg6 : memref<512x128xf32, #tpu.memory_space<vmem>>) offsets(%arg5 : memref<512xi32, #tpu.memory_space<vmem>>) semaphore(%arg7 : memref<!tpu.dma_semaphore, #tpu.memory_space<semaphore_mem>>)
    %dma_wait3A = arith.constant 0 : i32
    %dma_wait3A_5 = arith.constant 0 : i32
    %dma_wait3A_6 = tpu.memref_slice %arg2[%dma_wait3A, %dma_wait3A_5] : memref<8192x128xf32, #tpu.memory_space<hbm>> -> memref<8192x128xf32, #tpu.memory_space<hbm>>
    tpu.wait_indirect_dma semaphore(%arg7 : memref<!tpu.dma_semaphore, #tpu.memory_space<semaphore_mem>>) src(%dma_wait3A_6 : memref<8192x128xf32, #tpu.memory_space<hbm>>) dst(%arg6 : memref<512x128xf32, #tpu.memory_space<vmem>>)
    "tpu.region"() ({
      %run_scoped3A = tpu.sem_alloc : memref<!tpu.dma_semaphore, #tpu.memory_space<semaphore_mem>>
      %dma_start3A_7 = arith.constant 0 : i32
      %dma_start3A_8 = tpu.memref_slice %arg4[%mul3A_2, %dma_start3A_7] : memref<16384x128xf32, #tpu.memory_space<hbm>> -> memref<512x128xf32, #tpu.memory_space<hbm>>
      %dma_start3A_9 = arith.constant 0 : i32
      %dma_start3A_10 = tpu.memref_slice %arg4[%mul3A_2, %dma_start3A_9] : memref<16384x128xf32, #tpu.memory_space<hbm>> -> memref<512x128xf32, #tpu.memory_space<hbm>>
      tpu.enqueue_dma source(%arg6 : memref<512x128xf32, #tpu.memory_space<vmem>>) target(%dma_start3A_10 : memref<512x128xf32, #tpu.memory_space<hbm>>) target_semaphore(%run_scoped3A : memref<!tpu.dma_semaphore, #tpu.memory_space<semaphore_mem>>)
      %dma_wait3A_11 = arith.constant 0 : i32
      %dma_wait3A_12 = tpu.memref_slice %arg4[%mul3A_2, %dma_wait3A_11] : memref<16384x128xf32, #tpu.memory_space<hbm>> -> memref<512x128xf32, #tpu.memory_space<hbm>>
      %dma_wait3A_13 = arith.constant 0 : i32
      %dma_wait3A_14 = tpu.memref_slice %arg4[%mul3A_2, %dma_wait3A_13] : memref<16384x128xf32, #tpu.memory_space<hbm>> -> memref<512x128xf32, #tpu.memory_space<hbm>>
      tpu.wait_dma2 semaphore(%run_scoped3A : memref<!tpu.dma_semaphore, #tpu.memory_space<semaphore_mem>>) src(%arg6 : memref<512x128xf32, #tpu.memory_space<vmem>>) dst(%dma_wait3A_14 : memref<512x128xf32, #tpu.memory_space<hbm>>)
      tpu.yield
    }) : () -> ()
    return
  }
}

module attributes {stable_mosaic.version = 14 : i64} {
  func.func @_lambda_(%arg0: i32, %arg1: memref<256x32xf32, #tpu.memory_space<vmem>>, %arg2: memref<32x8192xf32, #tpu.memory_space<vmem>>, %arg3: memref<1x256xi32, #tpu.memory_space<vmem>>, %arg4: memref<32x8192xbf16, #tpu.memory_space<vmem>>, %arg5: memref<1x8192xf32, #tpu.memory_space<vmem>>, %arg6: memref<8192x128xbf16, #tpu.memory_space<vmem>>) attributes {dimension_semantics = [#tpu.dimension_semantics<arbitrary>], iteration_bounds = array<i64: 64>, scalar_prefetch = 0 : i64, scratch_operands = 3 : i64, tpu.core_type = #tpu.core_type<tc>, window_params = [{transform_indices = @transform_0, window_bounds = array<i64: 256, 32>}, {pipeline_mode = #tpu.pipeline_mode<synchronous>, transform_indices = @transform_1, window_bounds = array<i64: 32, 8192>}, {transform_indices = @transform_2, window_bounds = array<i64: 1, 256>}]} {
    %eq3A = arith.constant 0 : i32
    %eq3A_0 = arith.cmpi eq, %arg0, %eq3A : i32
    %convert_element_type3A = arith.extui %eq3A_0 : i1 to i32
    %cond3A = arith.constant 0 : i32
    %cond3A_1 = arith.cmpi ne, %convert_element_type3A, %cond3A : i32
    scf.if %cond3A_1 {
      %get3A_65 = arith.constant 0 : index
      %get3A_66 = arith.constant 0 : index
      %get3A_67 = vector.load %arg2[%get3A_65, %get3A_66] : memref<32x8192xf32, #tpu.memory_space<vmem>>, vector<32x8192xf32>
      %add3A_68 = arith.addf %get3A_67, %get3A_67 : vector<32x8192xf32>
      %convert_element_type3A_69 = arith.truncf %add3A_68 : vector<32x8192xf32> to vector<32x8192xbf16>
      %swap3A_70 = arith.constant 0 : index
      %swap3A_71 = arith.constant 0 : index
      %swap3A_72 = vector.load %arg4[%swap3A_70, %swap3A_71] : memref<32x8192xbf16, #tpu.memory_space<vmem>>, vector<32x8192xbf16>
      tpu.vector_store %arg4[%swap3A_70, %swap3A_71], %convert_element_type3A_69 {strides = array<i32>} : memref<32x8192xbf16, #tpu.memory_space<vmem>>, vector<32x8192xbf16>,
      %mul3A_73 = arith.mulf %get3A_67, %get3A_67 : vector<32x8192xf32>
      %reduce_sum3A_74 = arith.constant dense<0.000000e+00> : vector<8192xf32>
      %reduce_sum3A_75 = vector.multi_reduction <add>, %mul3A_73, %reduce_sum3A_74 [0] : vector<32x8192xf32> to vector<8192xf32>
      %broadcast_in_dim3A_76 = vector.shape_cast %reduce_sum3A_75 : vector<8192xf32> to vector<1x8192xf32>
      %swap3A_77 = arith.constant 0 : index
      %swap3A_78 = arith.constant 0 : index
      %swap3A_79 = vector.load %arg5[%swap3A_77, %swap3A_78] : memref<1x8192xf32, #tpu.memory_space<vmem>>, vector<1x8192xf32>
      tpu.vector_store %arg5[%swap3A_77, %swap3A_78], %broadcast_in_dim3A_76 {strides = array<i32>} : memref<1x8192xf32, #tpu.memory_space<vmem>>, vector<1x8192xf32>,
      %iota3A = tpu.iota {dimensions = array<i32: 0>} : vector<8192x128xi32>
      %iota3A_80 = tpu.iota {dimensions = array<i32: 1>} : vector<8192x128xi32>
      %eq3A_81 = arith.constant 0 : i32
      %eq3A_82 = vector.broadcast %eq3A_81 : i32 to vector<8192x128xi32>
      %eq3A_83 = arith.cmpi eq, %iota3A_80, %eq3A_82 : vector<8192x128xi32>
      %shift_right_arithmetic3A = arith.constant 6 : i32
      %shift_right_arithmetic3A_84 = vector.broadcast %shift_right_arithmetic3A : i32 to vector<8192x128xi32>
      %shift_right_arithmetic3A_85 = arith.shrsi %iota3A, %shift_right_arithmetic3A_84 : vector<8192x128xi32>
      %eq3A_86 = arith.constant 1 : i32
      %eq3A_87 = vector.broadcast %eq3A_86 : i32 to vector<8192x128xi32>
      %eq3A_88 = arith.cmpi eq, %iota3A_80, %eq3A_87 : vector<8192x128xi32>
      %and3A = arith.constant 63 : i32
      %and3A_89 = vector.broadcast %and3A : i32 to vector<8192x128xi32>
      %and3A_90 = arith.andi %iota3A, %and3A_89 : vector<8192x128xi32>
      %eq3A_91 = arith.constant 2 : i32
      %eq3A_92 = vector.broadcast %eq3A_91 : i32 to vector<8192x128xi32>
      %eq3A_93 = arith.cmpi eq, %iota3A_80, %eq3A_92 : vector<8192x128xi32>
      %jit3A_94 = arith.constant 1 : i32
      %jit3A_95 = arith.constant 0 : i32
      %broadcast_in_dim3A_96 = vector.broadcast %jit3A_94 : i32 to vector<8192x128xi32>
      %broadcast_in_dim3A_97 = vector.broadcast %jit3A_95 : i32 to vector<8192x128xi32>
      %select_n3A_98 = arith.select %eq3A_93, %broadcast_in_dim3A_96, %broadcast_in_dim3A_97 : vector<8192x128xi1>, vector<8192x128xi32>
      %select_n3A_99 = arith.select %eq3A_88, %and3A_90, %select_n3A_98 : vector<8192x128xi1>, vector<8192x128xi32>
      %select_n3A_100 = arith.select %eq3A_83, %shift_right_arithmetic3A_85, %select_n3A_99 : vector<8192x128xi1>, vector<8192x128xi32>
      %convert_element_type3A_101 = arith.sitofp %select_n3A_100 : vector<8192x128xi32> to vector<8192x128xbf16>
      %swap3A_102 = arith.constant 0 : index
      %swap3A_103 = arith.constant 0 : index
      %swap3A_104 = vector.load %arg6[%swap3A_102, %swap3A_103] : memref<8192x128xbf16, #tpu.memory_space<vmem>>, vector<8192x128xbf16>
      tpu.vector_store %arg6[%swap3A_102, %swap3A_103], %convert_element_type3A_101 {strides = array<i32>} : memref<8192x128xbf16, #tpu.memory_space<vmem>>, vector<8192x128xbf16>,
    } else {
    }
    %get3A = arith.constant 0 : index
    %get3A_2 = arith.constant 0 : index
    %get3A_3 = vector.load %arg1[%get3A, %get3A_2] : memref<256x32xf32, #tpu.memory_space<vmem>>, vector<256x32xf32>
    %mul3A = arith.mulf %get3A_3, %get3A_3 : vector<256x32xf32>
    %reduce_sum3A = arith.constant dense<0.000000e+00> : vector<256xf32>
    %reduce_sum3A_4 = vector.multi_reduction <add>, %mul3A, %reduce_sum3A [1] : vector<256x32xf32> to vector<256xf32>
    %broadcast_in_dim3A = vector.shape_cast %reduce_sum3A_4 : vector<256xf32> to vector<256x1xf32>
    %convert_element_type3A_5 = arith.truncf %get3A_3 : vector<256x32xf32> to vector<256x32xbf16>
    %get3A_6 = arith.constant 0 : index
    %get3A_7 = arith.constant 0 : index
    %get3A_8 = vector.load %arg4[%get3A_6, %get3A_7] : memref<32x8192xbf16, #tpu.memory_space<vmem>>, vector<32x8192xbf16>
    %dot_general3A = arith.constant dense<0.000000e+00> : vector<256x8192xf32>
    %dot_general3A_9 = tpu.matmul %convert_element_type3A_5, %get3A_8, %dot_general3A {dimension_numbers = #tpu.dot_dimension_numbers<[1], [0], [0], [1], [0, 0, 1, 1], [], []>, transpose_lhs_hint = false} : vector<256x32xbf16>, vector<32x8192xbf16>, vector<256x8192xf32> -> vector<256x8192xf32>
    %sub3A = vector.broadcast %broadcast_in_dim3A : vector<256x1xf32> to vector<256x8192xf32>
    %sub3A_10 = arith.subf %sub3A, %dot_general3A_9 : vector<256x8192xf32>
    %get3A_11 = arith.constant 0 : index
    %get3A_12 = arith.constant 0 : index
    %get3A_13 = vector.load %arg5[%get3A_11, %get3A_12] : memref<1x8192xf32, #tpu.memory_space<vmem>>, vector<1x8192xf32>
    %add3A = vector.broadcast %get3A_13 : vector<1x8192xf32> to vector<256x8192xf32>
    %add3A_14 = arith.addf %sub3A_10, %add3A : vector<256x8192xf32>
    %slice3A = vector.extract_strided_slice %add3A_14 {offsets = [0, 0], sizes = [256, 4096], strides = [1, 1]} : vector<256x8192xf32> to vector<256x4096xf32>
    %slice3A_15 = vector.extract_strided_slice %add3A_14 {offsets = [0, 4096], sizes = [256, 4096], strides = [1, 1]} : vector<256x8192xf32> to vector<256x4096xf32>
    %reduce_min3A = arith.constant dense<0x7F800000> : vector<256xf32>
    %reduce_min3A_16 = vector.multi_reduction <minimumf>, %slice3A, %reduce_min3A [1] : vector<256x4096xf32> to vector<256xf32>
    %broadcast_in_dim3A_17 = vector.shape_cast %reduce_min3A_16 : vector<256xf32> to vector<256x1xf32>
    %reduce_min3A_18 = arith.constant dense<0x7F800000> : vector<256xf32>
    %reduce_min3A_19 = vector.multi_reduction <minimumf>, %slice3A_15, %reduce_min3A_18 [1] : vector<256x4096xf32> to vector<256xf32>
    %broadcast_in_dim3A_20 = vector.shape_cast %reduce_min3A_19 : vector<256xf32> to vector<256x1xf32>
    %convert_element_type3A_21 = arith.truncf %broadcast_in_dim3A_17 : vector<256x1xf32> to vector<256x1xbf16>
    %convert_element_type3A_22 = arith.extf %convert_element_type3A_21 : vector<256x1xbf16> to vector<256x1xf32>
    %lt3A = arith.cmpf olt, %broadcast_in_dim3A_20, %convert_element_type3A_22 : vector<256x1xf32>
    %broadcast_in_dim3A_23 = vector.shape_cast %lt3A : vector<256x1xi1> to vector<256x1xi1>
    %broadcast_in_dim3A_24 = vector.broadcast %broadcast_in_dim3A_23 : vector<256x1xi1> to vector<256x4096xi1>
    %select_n3A = arith.select %broadcast_in_dim3A_24, %slice3A_15, %slice3A : vector<256x4096xi1>, vector<256x4096xf32>
    %select_n3A_25 = arith.select %lt3A, %broadcast_in_dim3A_20, %broadcast_in_dim3A_17 : vector<256x1xi1>, vector<256x1xf32>
    %eq3A_26 = vector.broadcast %select_n3A_25 : vector<256x1xf32> to vector<256x4096xf32>
    %eq3A_27 = arith.cmpf oeq, %select_n3A, %eq3A_26 : vector<256x4096xf32>
    %convert_element_type3A_28 = arith.extui %eq3A_27 : vector<256x4096xi1> to vector<256x4096xi32>
    %convert_element_type3A_29 = arith.sitofp %convert_element_type3A_28 : vector<256x4096xi32> to vector<256x4096xf32>
    %convert_element_type3A_30 = arith.truncf %convert_element_type3A_29 : vector<256x4096xf32> to vector<256x4096xbf16>
    %get3A_31 = arith.constant 0 : index
    %get3A_32 = arith.constant 0 : index
    %get3A_33 = vector.load %arg6[%get3A_31, %get3A_32] : memref<8192x128xbf16, #tpu.memory_space<vmem>>, vector<4096x128xbf16>
    %dot_general3A_34 = arith.constant dense<0.000000e+00> : vector<256x128xf32>
    %dot_general3A_35 = tpu.matmul %convert_element_type3A_30, %get3A_33, %dot_general3A_34 {dimension_numbers = #tpu.dot_dimension_numbers<[1], [0], [0], [1], [0, 0, 1, 1], [], []>, transpose_lhs_hint = false} : vector<256x4096xbf16>, vector<4096x128xbf16>, vector<256x128xf32> -> vector<256x128xf32>
    %squeeze3A = vector.shape_cast %lt3A : vector<256x1xi1> to vector<256xi1>
    %jit3A = arith.constant 4096 : i32
    %jit3A_36 = arith.constant 0 : i32
    %broadcast_in_dim3A_37 = vector.broadcast %jit3A : i32 to vector<256xi32>
    %broadcast_in_dim3A_38 = vector.broadcast %jit3A_36 : i32 to vector<256xi32>
    %select_n3A_39 = arith.select %squeeze3A, %broadcast_in_dim3A_37, %broadcast_in_dim3A_38 : vector<256xi1>, vector<256xi32>
    %slice3A_40 = vector.extract_strided_slice %dot_general3A_35 {offsets = [0, 0], sizes = [256, 1], strides = [1, 1]} : vector<256x128xf32> to vector<256x1xf32>
    %squeeze3A_41 = vector.shape_cast %slice3A_40 : vector<256x1xf32> to vector<256xf32>
    %convert_element_type3A_42 = arith.fptosi %squeeze3A_41 : vector<256xf32> to vector<256xi32>
    %mul3A_43 = arith.constant 64 : i32
    %mul3A_44 = vector.broadcast %mul3A_43 : i32 to vector<256xi32>
    %mul3A_45 = arith.muli %convert_element_type3A_42, %mul3A_44 : vector<256xi32>
    %slice3A_46 = vector.extract_strided_slice %dot_general3A_35 {offsets = [0, 1], sizes = [256, 1], strides = [1, 1]} : vector<256x128xf32> to vector<256x1xf32>
    %squeeze3A_47 = vector.shape_cast %slice3A_46 : vector<256x1xf32> to vector<256xf32>
    %convert_element_type3A_48 = arith.fptosi %squeeze3A_47 : vector<256xf32> to vector<256xi32>
    %add3A_49 = arith.addi %mul3A_45, %convert_element_type3A_48 : vector<256xi32>
    %add3A_50 = arith.addi %add3A_49, %select_n3A_39 : vector<256xi32>
    %swap3A = arith.constant 0 : index
    %swap3A_51 = arith.constant 0 : index
    %swap3A_52 = vector.load %arg3[%swap3A, %swap3A_51] : memref<1x256xi32, #tpu.memory_space<vmem>>, vector<1x256xi32>
    %swap3A_53 = vector.shape_cast %swap3A_52 : vector<1x256xi32> to vector<256xi32>
    %swap3A_54 = vector.shape_cast %add3A_50 : vector<256xi32> to vector<1x256xi32>
    tpu.vector_store %arg3[%swap3A, %swap3A_51], %swap3A_54 {strides = array<i32>} : memref<1x256xi32, #tpu.memory_space<vmem>>, vector<1x256xi32>,
    %slice3A_55 = vector.extract_strided_slice %dot_general3A_35 {offsets = [0, 2], sizes = [256, 1], strides = [1, 1]} : vector<256x128xf32> to vector<256x1xf32>
    %squeeze3A_56 = vector.shape_cast %slice3A_55 : vector<256x1xf32> to vector<256xf32>
    %reduce_max3A = vector.shape_cast %squeeze3A_56 : vector<256xf32> to vector<1x256xf32>
    %reduce_max3A_57 = arith.constant dense<0xFF800000> : vector<1xf32>
    %reduce_max3A_58 = vector.multi_reduction <maximumf>, %reduce_max3A, %reduce_max3A_57 [1] : vector<1x256xf32> to vector<1xf32>
    %reduce_max3A_59 = vector.shape_cast %reduce_max3A_58 : vector<1xf32> to vector<1x1xf32>
    %reduce_max3A_60 = vector.extract %reduce_max3A_59[0, 0] : f32 from vector<1x1xf32>
    %gt3A = arith.constant 1.500000e+00 : f32
    %gt3A_61 = arith.cmpf ogt, %reduce_max3A_60, %gt3A : f32
    %convert_element_type3A_62 = arith.extui %gt3A_61 : i1 to i32
    %cond3A_63 = arith.constant 0 : i32
    %cond3A_64 = arith.cmpi ne, %convert_element_type3A_62, %cond3A_63 : i32
    scf.if %cond3A_64 {
      %iota3A = tpu.iota {dimensions = array<i32: 1>} : vector<256x4096xi32>
      %eq3A_65 = vector.broadcast %select_n3A_25 : vector<256x1xf32> to vector<256x4096xf32>
      %eq3A_66 = arith.cmpf oeq, %select_n3A, %eq3A_65 : vector<256x4096xf32>
      %jit3A_67 = arith.constant 8192 : i32
      %broadcast_in_dim3A_68 = vector.broadcast %jit3A_67 : i32 to vector<256x4096xi32>
      %select_n3A_69 = arith.select %eq3A_66, %iota3A, %broadcast_in_dim3A_68 : vector<256x4096xi1>, vector<256x4096xi32>
      %reduce_min3A_70 = arith.constant dense<2147483647> : vector<256xi32>
      %reduce_min3A_71 = vector.multi_reduction <minsi>, %select_n3A_69, %reduce_min3A_70 [1] : vector<256x4096xi32> to vector<256xi32>
      %add3A_72 = arith.addi %reduce_min3A_71, %select_n3A_39 : vector<256xi32>
      %swap3A_73 = arith.constant 0 : index
      %swap3A_74 = arith.constant 0 : index
      %swap3A_75 = vector.load %arg3[%swap3A_73, %swap3A_74] : memref<1x256xi32, #tpu.memory_space<vmem>>, vector<1x256xi32>
      %swap3A_76 = vector.shape_cast %swap3A_75 : vector<1x256xi32> to vector<256xi32>
      %swap3A_77 = vector.shape_cast %add3A_72 : vector<256xi32> to vector<1x256xi32>
      tpu.vector_store %arg3[%swap3A_73, %swap3A_74], %swap3A_77 {strides = array<i32>} : memref<1x256xi32, #tpu.memory_space<vmem>>, vector<1x256xi32>,
    } else {
    }
    return
  }
  func.func @transform_0(%arg0: i32) -> (i32, i32) {
    %c0_i32 = arith.constant 0 : i32
    %c0_i32_0 = arith.constant 0 : i32
    return %arg0, %c0_i32 : i32, i32
  }
  func.func @transform_1(%arg0: i32) -> (i32, i32) {
    %c0_i32 = arith.constant 0 : i32
    %c0_i32_0 = arith.constant 0 : i32
    %c0_i32_1 = arith.constant 0 : i32
    return %c0_i32, %c0_i32_0 : i32, i32
  }
  func.func @transform_2(%arg0: i32) -> (i32, i32) {
    %c0_i32 = arith.constant 0 : i32
    %c0_i32_0 = arith.constant 0 : i32
    return %c0_i32, %arg0 : i32, i32
  }
}

module attributes {stable_mosaic.version = 14 : i64} {
  func.func @_lambda_(%arg0: i32, %arg1: memref<256x32xf32, #tpu.memory_space<vmem>>, %arg2: memref<32x8192xf32, #tpu.memory_space<vmem>>, %arg3: memref<256x128xf32, #tpu.memory_space<vmem>>, %arg4: memref<1x256xi32, #tpu.memory_space<vmem>>, %arg5: memref<32x8192xbf16, #tpu.memory_space<vmem>>, %arg6: memref<1x8192xf32, #tpu.memory_space<vmem>>, %arg7: memref<8192x128xbf16, #tpu.memory_space<vmem>>) attributes {dimension_semantics = [#tpu.dimension_semantics<arbitrary>], iteration_bounds = array<i64: 64>, scalar_prefetch = 0 : i64, scratch_operands = 3 : i64, tpu.core_type = #tpu.core_type<tc>, window_params = [{transform_indices = @transform_0, window_bounds = array<i64: 256, 32>}, {pipeline_mode = #tpu.pipeline_mode<synchronous>, transform_indices = @transform_1, window_bounds = array<i64: 32, 8192>}, {transform_indices = @transform_2, window_bounds = array<i64: 256, 128>}, {transform_indices = @transform_3, window_bounds = array<i64: 1, 256>}]} {
    %eq3A = arith.constant 0 : i32
    %eq3A_0 = arith.cmpi eq, %arg0, %eq3A : i32
    %convert_element_type3A = arith.extui %eq3A_0 : i1 to i32
    %cond3A = arith.constant 0 : i32
    %cond3A_1 = arith.cmpi ne, %convert_element_type3A, %cond3A : i32
    scf.if %cond3A_1 {
      %get3A_69 = arith.constant 0 : index
      %get3A_70 = arith.constant 0 : index
      %get3A_71 = vector.load %arg2[%get3A_69, %get3A_70] : memref<32x8192xf32, #tpu.memory_space<vmem>>, vector<32x8192xf32>
      %add3A_72 = arith.addf %get3A_71, %get3A_71 : vector<32x8192xf32>
      %convert_element_type3A_73 = arith.truncf %add3A_72 : vector<32x8192xf32> to vector<32x8192xbf16>
      %swap3A_74 = arith.constant 0 : index
      %swap3A_75 = arith.constant 0 : index
      %swap3A_76 = vector.load %arg5[%swap3A_74, %swap3A_75] : memref<32x8192xbf16, #tpu.memory_space<vmem>>, vector<32x8192xbf16>
      tpu.vector_store %arg5[%swap3A_74, %swap3A_75], %convert_element_type3A_73 {strides = array<i32>} : memref<32x8192xbf16, #tpu.memory_space<vmem>>, vector<32x8192xbf16>,
      %mul3A_77 = arith.mulf %get3A_71, %get3A_71 : vector<32x8192xf32>
      %reduce_sum3A_78 = arith.constant dense<0.000000e+00> : vector<8192xf32>
      %reduce_sum3A_79 = vector.multi_reduction <add>, %mul3A_77, %reduce_sum3A_78 [0] : vector<32x8192xf32> to vector<8192xf32>
      %broadcast_in_dim3A_80 = vector.shape_cast %reduce_sum3A_79 : vector<8192xf32> to vector<1x8192xf32>
      %swap3A_81 = arith.constant 0 : index
      %swap3A_82 = arith.constant 0 : index
      %swap3A_83 = vector.load %arg6[%swap3A_81, %swap3A_82] : memref<1x8192xf32, #tpu.memory_space<vmem>>, vector<1x8192xf32>
      tpu.vector_store %arg6[%swap3A_81, %swap3A_82], %broadcast_in_dim3A_80 {strides = array<i32>} : memref<1x8192xf32, #tpu.memory_space<vmem>>, vector<1x8192xf32>,
      %iota3A = tpu.iota {dimensions = array<i32: 0>} : vector<8192x128xi32>
      %iota3A_84 = tpu.iota {dimensions = array<i32: 1>} : vector<8192x128xi32>
      %eq3A_85 = arith.constant 0 : i32
      %eq3A_86 = vector.broadcast %eq3A_85 : i32 to vector<8192x128xi32>
      %eq3A_87 = arith.cmpi eq, %iota3A_84, %eq3A_86 : vector<8192x128xi32>
      %shift_right_arithmetic3A = arith.constant 6 : i32
      %shift_right_arithmetic3A_88 = vector.broadcast %shift_right_arithmetic3A : i32 to vector<8192x128xi32>
      %shift_right_arithmetic3A_89 = arith.shrsi %iota3A, %shift_right_arithmetic3A_88 : vector<8192x128xi32>
      %eq3A_90 = arith.constant 1 : i32
      %eq3A_91 = vector.broadcast %eq3A_90 : i32 to vector<8192x128xi32>
      %eq3A_92 = arith.cmpi eq, %iota3A_84, %eq3A_91 : vector<8192x128xi32>
      %and3A = arith.constant 63 : i32
      %and3A_93 = vector.broadcast %and3A : i32 to vector<8192x128xi32>
      %and3A_94 = arith.andi %iota3A, %and3A_93 : vector<8192x128xi32>
      %eq3A_95 = arith.constant 2 : i32
      %eq3A_96 = vector.broadcast %eq3A_95 : i32 to vector<8192x128xi32>
      %eq3A_97 = arith.cmpi eq, %iota3A_84, %eq3A_96 : vector<8192x128xi32>
      %jit3A_98 = arith.constant 1 : i32
      %jit3A_99 = arith.constant 0 : i32
      %broadcast_in_dim3A_100 = vector.broadcast %jit3A_98 : i32 to vector<8192x128xi32>
      %broadcast_in_dim3A_101 = vector.broadcast %jit3A_99 : i32 to vector<8192x128xi32>
      %select_n3A_102 = arith.select %eq3A_97, %broadcast_in_dim3A_100, %broadcast_in_dim3A_101 : vector<8192x128xi1>, vector<8192x128xi32>
      %select_n3A_103 = arith.select %eq3A_92, %and3A_94, %select_n3A_102 : vector<8192x128xi1>, vector<8192x128xi32>
      %select_n3A_104 = arith.select %eq3A_87, %shift_right_arithmetic3A_89, %select_n3A_103 : vector<8192x128xi1>, vector<8192x128xi32>
      %convert_element_type3A_105 = arith.sitofp %select_n3A_104 : vector<8192x128xi32> to vector<8192x128xbf16>
      %swap3A_106 = arith.constant 0 : index
      %swap3A_107 = arith.constant 0 : index
      %swap3A_108 = vector.load %arg7[%swap3A_106, %swap3A_107] : memref<8192x128xbf16, #tpu.memory_space<vmem>>, vector<8192x128xbf16>
      tpu.vector_store %arg7[%swap3A_106, %swap3A_107], %convert_element_type3A_105 {strides = array<i32>} : memref<8192x128xbf16, #tpu.memory_space<vmem>>, vector<8192x128xbf16>,
    } else {
    }
    %get3A = arith.constant 0 : index
    %get3A_2 = arith.constant 0 : index
    %get3A_3 = vector.load %arg1[%get3A, %get3A_2] : memref<256x32xf32, #tpu.memory_space<vmem>>, vector<256x32xf32>
    %get3A_4 = arith.constant 0 : index
    %get3A_5 = arith.constant 0 : index
    %get3A_6 = vector.load %arg3[%get3A_4, %get3A_5] : memref<256x128xf32, #tpu.memory_space<vmem>>, vector<256x32xf32>
    %sub3A = arith.subf %get3A_3, %get3A_6 : vector<256x32xf32>
    %mul3A = arith.mulf %sub3A, %sub3A : vector<256x32xf32>
    %reduce_sum3A = arith.constant dense<0.000000e+00> : vector<256xf32>
    %reduce_sum3A_7 = vector.multi_reduction <add>, %mul3A, %reduce_sum3A [1] : vector<256x32xf32> to vector<256xf32>
    %broadcast_in_dim3A = vector.shape_cast %reduce_sum3A_7 : vector<256xf32> to vector<256x1xf32>
    %convert_element_type3A_8 = arith.truncf %sub3A : vector<256x32xf32> to vector<256x32xbf16>
    %get3A_9 = arith.constant 0 : index
    %get3A_10 = arith.constant 0 : index
    %get3A_11 = vector.load %arg5[%get3A_9, %get3A_10] : memref<32x8192xbf16, #tpu.memory_space<vmem>>, vector<32x8192xbf16>
    %dot_general3A = arith.constant dense<0.000000e+00> : vector<256x8192xf32>
    %dot_general3A_12 = tpu.matmul %convert_element_type3A_8, %get3A_11, %dot_general3A {dimension_numbers = #tpu.dot_dimension_numbers<[1], [0], [0], [1], [0, 0, 1, 1], [], []>, transpose_lhs_hint = false} : vector<256x32xbf16>, vector<32x8192xbf16>, vector<256x8192xf32> -> vector<256x8192xf32>
    %sub3A_13 = vector.broadcast %broadcast_in_dim3A : vector<256x1xf32> to vector<256x8192xf32>
    %sub3A_14 = arith.subf %sub3A_13, %dot_general3A_12 : vector<256x8192xf32>
    %get3A_15 = arith.constant 0 : index
    %get3A_16 = arith.constant 0 : index
    %get3A_17 = vector.load %arg6[%get3A_15, %get3A_16] : memref<1x8192xf32, #tpu.memory_space<vmem>>, vector<1x8192xf32>
    %add3A = vector.broadcast %get3A_17 : vector<1x8192xf32> to vector<256x8192xf32>
    %add3A_18 = arith.addf %sub3A_14, %add3A : vector<256x8192xf32>
    %slice3A = vector.extract_strided_slice %add3A_18 {offsets = [0, 0], sizes = [256, 4096], strides = [1, 1]} : vector<256x8192xf32> to vector<256x4096xf32>
    %slice3A_19 = vector.extract_strided_slice %add3A_18 {offsets = [0, 4096], sizes = [256, 4096], strides = [1, 1]} : vector<256x8192xf32> to vector<256x4096xf32>
    %reduce_min3A = arith.constant dense<0x7F800000> : vector<256xf32>
    %reduce_min3A_20 = vector.multi_reduction <minimumf>, %slice3A, %reduce_min3A [1] : vector<256x4096xf32> to vector<256xf32>
    %broadcast_in_dim3A_21 = vector.shape_cast %reduce_min3A_20 : vector<256xf32> to vector<256x1xf32>
    %reduce_min3A_22 = arith.constant dense<0x7F800000> : vector<256xf32>
    %reduce_min3A_23 = vector.multi_reduction <minimumf>, %slice3A_19, %reduce_min3A_22 [1] : vector<256x4096xf32> to vector<256xf32>
    %broadcast_in_dim3A_24 = vector.shape_cast %reduce_min3A_23 : vector<256xf32> to vector<256x1xf32>
    %convert_element_type3A_25 = arith.truncf %broadcast_in_dim3A_21 : vector<256x1xf32> to vector<256x1xbf16>
    %convert_element_type3A_26 = arith.extf %convert_element_type3A_25 : vector<256x1xbf16> to vector<256x1xf32>
    %lt3A = arith.cmpf olt, %broadcast_in_dim3A_24, %convert_element_type3A_26 : vector<256x1xf32>
    %broadcast_in_dim3A_27 = vector.shape_cast %lt3A : vector<256x1xi1> to vector<256x1xi1>
    %broadcast_in_dim3A_28 = vector.broadcast %broadcast_in_dim3A_27 : vector<256x1xi1> to vector<256x4096xi1>
    %select_n3A = arith.select %broadcast_in_dim3A_28, %slice3A_19, %slice3A : vector<256x4096xi1>, vector<256x4096xf32>
    %select_n3A_29 = arith.select %lt3A, %broadcast_in_dim3A_24, %broadcast_in_dim3A_21 : vector<256x1xi1>, vector<256x1xf32>
    %eq3A_30 = vector.broadcast %select_n3A_29 : vector<256x1xf32> to vector<256x4096xf32>
    %eq3A_31 = arith.cmpf oeq, %select_n3A, %eq3A_30 : vector<256x4096xf32>
    %convert_element_type3A_32 = arith.extui %eq3A_31 : vector<256x4096xi1> to vector<256x4096xi32>
    %convert_element_type3A_33 = arith.sitofp %convert_element_type3A_32 : vector<256x4096xi32> to vector<256x4096xf32>
    %convert_element_type3A_34 = arith.truncf %convert_element_type3A_33 : vector<256x4096xf32> to vector<256x4096xbf16>
    %get3A_35 = arith.constant 0 : index
    %get3A_36 = arith.constant 0 : index
    %get3A_37 = vector.load %arg7[%get3A_35, %get3A_36] : memref<8192x128xbf16, #tpu.memory_space<vmem>>, vector<4096x128xbf16>
    %dot_general3A_38 = arith.constant dense<0.000000e+00> : vector<256x128xf32>
    %dot_general3A_39 = tpu.matmul %convert_element_type3A_34, %get3A_37, %dot_general3A_38 {dimension_numbers = #tpu.dot_dimension_numbers<[1], [0], [0], [1], [0, 0, 1, 1], [], []>, transpose_lhs_hint = false} : vector<256x4096xbf16>, vector<4096x128xbf16>, vector<256x128xf32> -> vector<256x128xf32>
    %squeeze3A = vector.shape_cast %lt3A : vector<256x1xi1> to vector<256xi1>
    %jit3A = arith.constant 4096 : i32
    %jit3A_40 = arith.constant 0 : i32
    %broadcast_in_dim3A_41 = vector.broadcast %jit3A : i32 to vector<256xi32>
    %broadcast_in_dim3A_42 = vector.broadcast %jit3A_40 : i32 to vector<256xi32>
    %select_n3A_43 = arith.select %squeeze3A, %broadcast_in_dim3A_41, %broadcast_in_dim3A_42 : vector<256xi1>, vector<256xi32>
    %slice3A_44 = vector.extract_strided_slice %dot_general3A_39 {offsets = [0, 0], sizes = [256, 1], strides = [1, 1]} : vector<256x128xf32> to vector<256x1xf32>
    %squeeze3A_45 = vector.shape_cast %slice3A_44 : vector<256x1xf32> to vector<256xf32>
    %convert_element_type3A_46 = arith.fptosi %squeeze3A_45 : vector<256xf32> to vector<256xi32>
    %mul3A_47 = arith.constant 64 : i32
    %mul3A_48 = vector.broadcast %mul3A_47 : i32 to vector<256xi32>
    %mul3A_49 = arith.muli %convert_element_type3A_46, %mul3A_48 : vector<256xi32>
    %slice3A_50 = vector.extract_strided_slice %dot_general3A_39 {offsets = [0, 1], sizes = [256, 1], strides = [1, 1]} : vector<256x128xf32> to vector<256x1xf32>
    %squeeze3A_51 = vector.shape_cast %slice3A_50 : vector<256x1xf32> to vector<256xf32>
    %convert_element_type3A_52 = arith.fptosi %squeeze3A_51 : vector<256xf32> to vector<256xi32>
    %add3A_53 = arith.addi %mul3A_49, %convert_element_type3A_52 : vector<256xi32>
    %add3A_54 = arith.addi %add3A_53, %select_n3A_43 : vector<256xi32>
    %swap3A = arith.constant 0 : index
    %swap3A_55 = arith.constant 0 : index
    %swap3A_56 = vector.load %arg4[%swap3A, %swap3A_55] : memref<1x256xi32, #tpu.memory_space<vmem>>, vector<1x256xi32>
    %swap3A_57 = vector.shape_cast %swap3A_56 : vector<1x256xi32> to vector<256xi32>
    %swap3A_58 = vector.shape_cast %add3A_54 : vector<256xi32> to vector<1x256xi32>
    tpu.vector_store %arg4[%swap3A, %swap3A_55], %swap3A_58 {strides = array<i32>} : memref<1x256xi32, #tpu.memory_space<vmem>>, vector<1x256xi32>,
    %slice3A_59 = vector.extract_strided_slice %dot_general3A_39 {offsets = [0, 2], sizes = [256, 1], strides = [1, 1]} : vector<256x128xf32> to vector<256x1xf32>
    %squeeze3A_60 = vector.shape_cast %slice3A_59 : vector<256x1xf32> to vector<256xf32>
    %reduce_max3A = vector.shape_cast %squeeze3A_60 : vector<256xf32> to vector<1x256xf32>
    %reduce_max3A_61 = arith.constant dense<0xFF800000> : vector<1xf32>
    %reduce_max3A_62 = vector.multi_reduction <maximumf>, %reduce_max3A, %reduce_max3A_61 [1] : vector<1x256xf32> to vector<1xf32>
    %reduce_max3A_63 = vector.shape_cast %reduce_max3A_62 : vector<1xf32> to vector<1x1xf32>
    %reduce_max3A_64 = vector.extract %reduce_max3A_63[0, 0] : f32 from vector<1x1xf32>
    %gt3A = arith.constant 1.500000e+00 : f32
    %gt3A_65 = arith.cmpf ogt, %reduce_max3A_64, %gt3A : f32
    %convert_element_type3A_66 = arith.extui %gt3A_65 : i1 to i32
    %cond3A_67 = arith.constant 0 : i32
    %cond3A_68 = arith.cmpi ne, %convert_element_type3A_66, %cond3A_67 : i32
    scf.if %cond3A_68 {
      %iota3A = tpu.iota {dimensions = array<i32: 1>} : vector<256x4096xi32>
      %eq3A_69 = vector.broadcast %select_n3A_29 : vector<256x1xf32> to vector<256x4096xf32>
      %eq3A_70 = arith.cmpf oeq, %select_n3A, %eq3A_69 : vector<256x4096xf32>
      %jit3A_71 = arith.constant 8192 : i32
      %broadcast_in_dim3A_72 = vector.broadcast %jit3A_71 : i32 to vector<256x4096xi32>
      %select_n3A_73 = arith.select %eq3A_70, %iota3A, %broadcast_in_dim3A_72 : vector<256x4096xi1>, vector<256x4096xi32>
      %reduce_min3A_74 = arith.constant dense<2147483647> : vector<256xi32>
      %reduce_min3A_75 = vector.multi_reduction <minsi>, %select_n3A_73, %reduce_min3A_74 [1] : vector<256x4096xi32> to vector<256xi32>
      %add3A_76 = arith.addi %reduce_min3A_75, %select_n3A_43 : vector<256xi32>
      %swap3A_77 = arith.constant 0 : index
      %swap3A_78 = arith.constant 0 : index
      %swap3A_79 = vector.load %arg4[%swap3A_77, %swap3A_78] : memref<1x256xi32, #tpu.memory_space<vmem>>, vector<1x256xi32>
      %swap3A_80 = vector.shape_cast %swap3A_79 : vector<1x256xi32> to vector<256xi32>
      %swap3A_81 = vector.shape_cast %add3A_76 : vector<256xi32> to vector<1x256xi32>
      tpu.vector_store %arg4[%swap3A_77, %swap3A_78], %swap3A_81 {strides = array<i32>} : memref<1x256xi32, #tpu.memory_space<vmem>>, vector<1x256xi32>,
    } else {
    }
    return
  }
  func.func @transform_0(%arg0: i32) -> (i32, i32) {
    %c0_i32 = arith.constant 0 : i32
    %c0_i32_0 = arith.constant 0 : i32
    return %arg0, %c0_i32 : i32, i32
  }
  func.func @transform_1(%arg0: i32) -> (i32, i32) {
    %c0_i32 = arith.constant 0 : i32
    %c0_i32_0 = arith.constant 0 : i32
    %c0_i32_1 = arith.constant 0 : i32
    return %c0_i32, %c0_i32_0 : i32, i32
  }
  func.func @transform_2(%arg0: i32) -> (i32, i32) {
    %c0_i32 = arith.constant 0 : i32
    %c0_i32_0 = arith.constant 0 : i32
    return %arg0, %c0_i32 : i32, i32
  }
  func.func @transform_3(%arg0: i32) -> (i32, i32) {
    %c0_i32 = arith.constant 0 : i32
    %c0_i32_0 = arith.constant 0 : i32
    return %c0_i32, %arg0 : i32, i32
  }
}

module attributes {stable_mosaic.version = 14 : i64} {
  func.func @_lambda_(%arg0: i32, %arg1: memref<256x32xf32, #tpu.memory_space<vmem>>, %arg2: memref<32x8192xf32, #tpu.memory_space<vmem>>, %arg3: memref<256x128xf32, #tpu.memory_space<vmem>>, %arg4: memref<256x128xf32, #tpu.memory_space<vmem>>, %arg5: memref<1x256xi32, #tpu.memory_space<vmem>>, %arg6: memref<32x8192xbf16, #tpu.memory_space<vmem>>, %arg7: memref<1x8192xf32, #tpu.memory_space<vmem>>, %arg8: memref<8192x128xbf16, #tpu.memory_space<vmem>>) attributes {dimension_semantics = [#tpu.dimension_semantics<arbitrary>], iteration_bounds = array<i64: 64>, scalar_prefetch = 0 : i64, scratch_operands = 3 : i64, tpu.core_type = #tpu.core_type<tc>, window_params = [{transform_indices = @transform_0, window_bounds = array<i64: 256, 32>}, {pipeline_mode = #tpu.pipeline_mode<synchronous>, transform_indices = @transform_1, window_bounds = array<i64: 32, 8192>}, {transform_indices = @transform_2, window_bounds = array<i64: 256, 128>}, {transform_indices = @transform_3, window_bounds = array<i64: 256, 128>}, {transform_indices = @transform_4, window_bounds = array<i64: 1, 256>}]} {
    %eq3A = arith.constant 0 : i32
    %eq3A_0 = arith.cmpi eq, %arg0, %eq3A : i32
    %convert_element_type3A = arith.extui %eq3A_0 : i1 to i32
    %cond3A = arith.constant 0 : i32
    %cond3A_1 = arith.cmpi ne, %convert_element_type3A, %cond3A : i32
    scf.if %cond3A_1 {
      %get3A_73 = arith.constant 0 : index
      %get3A_74 = arith.constant 0 : index
      %get3A_75 = vector.load %arg2[%get3A_73, %get3A_74] : memref<32x8192xf32, #tpu.memory_space<vmem>>, vector<32x8192xf32>
      %add3A_76 = arith.addf %get3A_75, %get3A_75 : vector<32x8192xf32>
      %convert_element_type3A_77 = arith.truncf %add3A_76 : vector<32x8192xf32> to vector<32x8192xbf16>
      %swap3A_78 = arith.constant 0 : index
      %swap3A_79 = arith.constant 0 : index
      %swap3A_80 = vector.load %arg6[%swap3A_78, %swap3A_79] : memref<32x8192xbf16, #tpu.memory_space<vmem>>, vector<32x8192xbf16>
      tpu.vector_store %arg6[%swap3A_78, %swap3A_79], %convert_element_type3A_77 {strides = array<i32>} : memref<32x8192xbf16, #tpu.memory_space<vmem>>, vector<32x8192xbf16>,
      %mul3A_81 = arith.mulf %get3A_75, %get3A_75 : vector<32x8192xf32>
      %reduce_sum3A_82 = arith.constant dense<0.000000e+00> : vector<8192xf32>
      %reduce_sum3A_83 = vector.multi_reduction <add>, %mul3A_81, %reduce_sum3A_82 [0] : vector<32x8192xf32> to vector<8192xf32>
      %broadcast_in_dim3A_84 = vector.shape_cast %reduce_sum3A_83 : vector<8192xf32> to vector<1x8192xf32>
      %swap3A_85 = arith.constant 0 : index
      %swap3A_86 = arith.constant 0 : index
      %swap3A_87 = vector.load %arg7[%swap3A_85, %swap3A_86] : memref<1x8192xf32, #tpu.memory_space<vmem>>, vector<1x8192xf32>
      tpu.vector_store %arg7[%swap3A_85, %swap3A_86], %broadcast_in_dim3A_84 {strides = array<i32>} : memref<1x8192xf32, #tpu.memory_space<vmem>>, vector<1x8192xf32>,
      %iota3A = tpu.iota {dimensions = array<i32: 0>} : vector<8192x128xi32>
      %iota3A_88 = tpu.iota {dimensions = array<i32: 1>} : vector<8192x128xi32>
      %eq3A_89 = arith.constant 0 : i32
      %eq3A_90 = vector.broadcast %eq3A_89 : i32 to vector<8192x128xi32>
      %eq3A_91 = arith.cmpi eq, %iota3A_88, %eq3A_90 : vector<8192x128xi32>
      %shift_right_arithmetic3A = arith.constant 6 : i32
      %shift_right_arithmetic3A_92 = vector.broadcast %shift_right_arithmetic3A : i32 to vector<8192x128xi32>
      %shift_right_arithmetic3A_93 = arith.shrsi %iota3A, %shift_right_arithmetic3A_92 : vector<8192x128xi32>
      %eq3A_94 = arith.constant 1 : i32
      %eq3A_95 = vector.broadcast %eq3A_94 : i32 to vector<8192x128xi32>
      %eq3A_96 = arith.cmpi eq, %iota3A_88, %eq3A_95 : vector<8192x128xi32>
      %and3A = arith.constant 63 : i32
      %and3A_97 = vector.broadcast %and3A : i32 to vector<8192x128xi32>
      %and3A_98 = arith.andi %iota3A, %and3A_97 : vector<8192x128xi32>
      %eq3A_99 = arith.constant 2 : i32
      %eq3A_100 = vector.broadcast %eq3A_99 : i32 to vector<8192x128xi32>
      %eq3A_101 = arith.cmpi eq, %iota3A_88, %eq3A_100 : vector<8192x128xi32>
      %jit3A_102 = arith.constant 1 : i32
      %jit3A_103 = arith.constant 0 : i32
      %broadcast_in_dim3A_104 = vector.broadcast %jit3A_102 : i32 to vector<8192x128xi32>
      %broadcast_in_dim3A_105 = vector.broadcast %jit3A_103 : i32 to vector<8192x128xi32>
      %select_n3A_106 = arith.select %eq3A_101, %broadcast_in_dim3A_104, %broadcast_in_dim3A_105 : vector<8192x128xi1>, vector<8192x128xi32>
      %select_n3A_107 = arith.select %eq3A_96, %and3A_98, %select_n3A_106 : vector<8192x128xi1>, vector<8192x128xi32>
      %select_n3A_108 = arith.select %eq3A_91, %shift_right_arithmetic3A_93, %select_n3A_107 : vector<8192x128xi1>, vector<8192x128xi32>
      %convert_element_type3A_109 = arith.sitofp %select_n3A_108 : vector<8192x128xi32> to vector<8192x128xbf16>
      %swap3A_110 = arith.constant 0 : index
      %swap3A_111 = arith.constant 0 : index
      %swap3A_112 = vector.load %arg8[%swap3A_110, %swap3A_111] : memref<8192x128xbf16, #tpu.memory_space<vmem>>, vector<8192x128xbf16>
      tpu.vector_store %arg8[%swap3A_110, %swap3A_111], %convert_element_type3A_109 {strides = array<i32>} : memref<8192x128xbf16, #tpu.memory_space<vmem>>, vector<8192x128xbf16>,
    } else {
    }
    %get3A = arith.constant 0 : index
    %get3A_2 = arith.constant 0 : index
    %get3A_3 = vector.load %arg1[%get3A, %get3A_2] : memref<256x32xf32, #tpu.memory_space<vmem>>, vector<256x32xf32>
    %get3A_4 = arith.constant 0 : index
    %get3A_5 = arith.constant 0 : index
    %get3A_6 = vector.load %arg3[%get3A_4, %get3A_5] : memref<256x128xf32, #tpu.memory_space<vmem>>, vector<256x32xf32>
    %sub3A = arith.subf %get3A_3, %get3A_6 : vector<256x32xf32>
    %get3A_7 = arith.constant 0 : index
    %get3A_8 = arith.constant 0 : index
    %get3A_9 = vector.load %arg4[%get3A_7, %get3A_8] : memref<256x128xf32, #tpu.memory_space<vmem>>, vector<256x32xf32>
    %sub3A_10 = arith.subf %sub3A, %get3A_9 : vector<256x32xf32>
    %mul3A = arith.mulf %sub3A_10, %sub3A_10 : vector<256x32xf32>
    %reduce_sum3A = arith.constant dense<0.000000e+00> : vector<256xf32>
    %reduce_sum3A_11 = vector.multi_reduction <add>, %mul3A, %reduce_sum3A [1] : vector<256x32xf32> to vector<256xf32>
    %broadcast_in_dim3A = vector.shape_cast %reduce_sum3A_11 : vector<256xf32> to vector<256x1xf32>
    %convert_element_type3A_12 = arith.truncf %sub3A_10 : vector<256x32xf32> to vector<256x32xbf16>
    %get3A_13 = arith.constant 0 : index
    %get3A_14 = arith.constant 0 : index
    %get3A_15 = vector.load %arg6[%get3A_13, %get3A_14] : memref<32x8192xbf16, #tpu.memory_space<vmem>>, vector<32x8192xbf16>
    %dot_general3A = arith.constant dense<0.000000e+00> : vector<256x8192xf32>
    %dot_general3A_16 = tpu.matmul %convert_element_type3A_12, %get3A_15, %dot_general3A {dimension_numbers = #tpu.dot_dimension_numbers<[1], [0], [0], [1], [0, 0, 1, 1], [], []>, transpose_lhs_hint = false} : vector<256x32xbf16>, vector<32x8192xbf16>, vector<256x8192xf32> -> vector<256x8192xf32>
    %sub3A_17 = vector.broadcast %broadcast_in_dim3A : vector<256x1xf32> to vector<256x8192xf32>
    %sub3A_18 = arith.subf %sub3A_17, %dot_general3A_16 : vector<256x8192xf32>
    %get3A_19 = arith.constant 0 : index
    %get3A_20 = arith.constant 0 : index
    %get3A_21 = vector.load %arg7[%get3A_19, %get3A_20] : memref<1x8192xf32, #tpu.memory_space<vmem>>, vector<1x8192xf32>
    %add3A = vector.broadcast %get3A_21 : vector<1x8192xf32> to vector<256x8192xf32>
    %add3A_22 = arith.addf %sub3A_18, %add3A : vector<256x8192xf32>
    %slice3A = vector.extract_strided_slice %add3A_22 {offsets = [0, 0], sizes = [256, 4096], strides = [1, 1]} : vector<256x8192xf32> to vector<256x4096xf32>
    %slice3A_23 = vector.extract_strided_slice %add3A_22 {offsets = [0, 4096], sizes = [256, 4096], strides = [1, 1]} : vector<256x8192xf32> to vector<256x4096xf32>
    %reduce_min3A = arith.constant dense<0x7F800000> : vector<256xf32>
    %reduce_min3A_24 = vector.multi_reduction <minimumf>, %slice3A, %reduce_min3A [1] : vector<256x4096xf32> to vector<256xf32>
    %broadcast_in_dim3A_25 = vector.shape_cast %reduce_min3A_24 : vector<256xf32> to vector<256x1xf32>
    %reduce_min3A_26 = arith.constant dense<0x7F800000> : vector<256xf32>
    %reduce_min3A_27 = vector.multi_reduction <minimumf>, %slice3A_23, %reduce_min3A_26 [1] : vector<256x4096xf32> to vector<256xf32>
    %broadcast_in_dim3A_28 = vector.shape_cast %reduce_min3A_27 : vector<256xf32> to vector<256x1xf32>
    %convert_element_type3A_29 = arith.truncf %broadcast_in_dim3A_25 : vector<256x1xf32> to vector<256x1xbf16>
    %convert_element_type3A_30 = arith.extf %convert_element_type3A_29 : vector<256x1xbf16> to vector<256x1xf32>
    %lt3A = arith.cmpf olt, %broadcast_in_dim3A_28, %convert_element_type3A_30 : vector<256x1xf32>
    %broadcast_in_dim3A_31 = vector.shape_cast %lt3A : vector<256x1xi1> to vector<256x1xi1>
    %broadcast_in_dim3A_32 = vector.broadcast %broadcast_in_dim3A_31 : vector<256x1xi1> to vector<256x4096xi1>
    %select_n3A = arith.select %broadcast_in_dim3A_32, %slice3A_23, %slice3A : vector<256x4096xi1>, vector<256x4096xf32>
    %select_n3A_33 = arith.select %lt3A, %broadcast_in_dim3A_28, %broadcast_in_dim3A_25 : vector<256x1xi1>, vector<256x1xf32>
    %eq3A_34 = vector.broadcast %select_n3A_33 : vector<256x1xf32> to vector<256x4096xf32>
    %eq3A_35 = arith.cmpf oeq, %select_n3A, %eq3A_34 : vector<256x4096xf32>
    %convert_element_type3A_36 = arith.extui %eq3A_35 : vector<256x4096xi1> to vector<256x4096xi32>
    %convert_element_type3A_37 = arith.sitofp %convert_element_type3A_36 : vector<256x4096xi32> to vector<256x4096xf32>
    %convert_element_type3A_38 = arith.truncf %convert_element_type3A_37 : vector<256x4096xf32> to vector<256x4096xbf16>
    %get3A_39 = arith.constant 0 : index
    %get3A_40 = arith.constant 0 : index
    %get3A_41 = vector.load %arg8[%get3A_39, %get3A_40] : memref<8192x128xbf16, #tpu.memory_space<vmem>>, vector<4096x128xbf16>
    %dot_general3A_42 = arith.constant dense<0.000000e+00> : vector<256x128xf32>
    %dot_general3A_43 = tpu.matmul %convert_element_type3A_38, %get3A_41, %dot_general3A_42 {dimension_numbers = #tpu.dot_dimension_numbers<[1], [0], [0], [1], [0, 0, 1, 1], [], []>, transpose_lhs_hint = false} : vector<256x4096xbf16>, vector<4096x128xbf16>, vector<256x128xf32> -> vector<256x128xf32>
    %squeeze3A = vector.shape_cast %lt3A : vector<256x1xi1> to vector<256xi1>
    %jit3A = arith.constant 4096 : i32
    %jit3A_44 = arith.constant 0 : i32
    %broadcast_in_dim3A_45 = vector.broadcast %jit3A : i32 to vector<256xi32>
    %broadcast_in_dim3A_46 = vector.broadcast %jit3A_44 : i32 to vector<256xi32>
    %select_n3A_47 = arith.select %squeeze3A, %broadcast_in_dim3A_45, %broadcast_in_dim3A_46 : vector<256xi1>, vector<256xi32>
    %slice3A_48 = vector.extract_strided_slice %dot_general3A_43 {offsets = [0, 0], sizes = [256, 1], strides = [1, 1]} : vector<256x128xf32> to vector<256x1xf32>
    %squeeze3A_49 = vector.shape_cast %slice3A_48 : vector<256x1xf32> to vector<256xf32>
    %convert_element_type3A_50 = arith.fptosi %squeeze3A_49 : vector<256xf32> to vector<256xi32>
    %mul3A_51 = arith.constant 64 : i32
    %mul3A_52 = vector.broadcast %mul3A_51 : i32 to vector<256xi32>
    %mul3A_53 = arith.muli %convert_element_type3A_50, %mul3A_52 : vector<256xi32>
    %slice3A_54 = vector.extract_strided_slice %dot_general3A_43 {offsets = [0, 1], sizes = [256, 1], strides = [1, 1]} : vector<256x128xf32> to vector<256x1xf32>
    %squeeze3A_55 = vector.shape_cast %slice3A_54 : vector<256x1xf32> to vector<256xf32>
    %convert_element_type3A_56 = arith.fptosi %squeeze3A_55 : vector<256xf32> to vector<256xi32>
    %add3A_57 = arith.addi %mul3A_53, %convert_element_type3A_56 : vector<256xi32>
    %add3A_58 = arith.addi %add3A_57, %select_n3A_47 : vector<256xi32>
    %swap3A = arith.constant 0 : index
    %swap3A_59 = arith.constant 0 : index
    %swap3A_60 = vector.load %arg5[%swap3A, %swap3A_59] : memref<1x256xi32, #tpu.memory_space<vmem>>, vector<1x256xi32>
    %swap3A_61 = vector.shape_cast %swap3A_60 : vector<1x256xi32> to vector<256xi32>
    %swap3A_62 = vector.shape_cast %add3A_58 : vector<256xi32> to vector<1x256xi32>
    tpu.vector_store %arg5[%swap3A, %swap3A_59], %swap3A_62 {strides = array<i32>} : memref<1x256xi32, #tpu.memory_space<vmem>>, vector<1x256xi32>,
    %slice3A_63 = vector.extract_strided_slice %dot_general3A_43 {offsets = [0, 2], sizes = [256, 1], strides = [1, 1]} : vector<256x128xf32> to vector<256x1xf32>
    %squeeze3A_64 = vector.shape_cast %slice3A_63 : vector<256x1xf32> to vector<256xf32>
    %reduce_max3A = vector.shape_cast %squeeze3A_64 : vector<256xf32> to vector<1x256xf32>
    %reduce_max3A_65 = arith.constant dense<0xFF800000> : vector<1xf32>
    %reduce_max3A_66 = vector.multi_reduction <maximumf>, %reduce_max3A, %reduce_max3A_65 [1] : vector<1x256xf32> to vector<1xf32>
    %reduce_max3A_67 = vector.shape_cast %reduce_max3A_66 : vector<1xf32> to vector<1x1xf32>
    %reduce_max3A_68 = vector.extract %reduce_max3A_67[0, 0] : f32 from vector<1x1xf32>
    %gt3A = arith.constant 1.500000e+00 : f32
    %gt3A_69 = arith.cmpf ogt, %reduce_max3A_68, %gt3A : f32
    %convert_element_type3A_70 = arith.extui %gt3A_69 : i1 to i32
    %cond3A_71 = arith.constant 0 : i32
    %cond3A_72 = arith.cmpi ne, %convert_element_type3A_70, %cond3A_71 : i32
    scf.if %cond3A_72 {
      %iota3A = tpu.iota {dimensions = array<i32: 1>} : vector<256x4096xi32>
      %eq3A_73 = vector.broadcast %select_n3A_33 : vector<256x1xf32> to vector<256x4096xf32>
      %eq3A_74 = arith.cmpf oeq, %select_n3A, %eq3A_73 : vector<256x4096xf32>
      %jit3A_75 = arith.constant 8192 : i32
      %broadcast_in_dim3A_76 = vector.broadcast %jit3A_75 : i32 to vector<256x4096xi32>
      %select_n3A_77 = arith.select %eq3A_74, %iota3A, %broadcast_in_dim3A_76 : vector<256x4096xi1>, vector<256x4096xi32>
      %reduce_min3A_78 = arith.constant dense<2147483647> : vector<256xi32>
      %reduce_min3A_79 = vector.multi_reduction <minsi>, %select_n3A_77, %reduce_min3A_78 [1] : vector<256x4096xi32> to vector<256xi32>
      %add3A_80 = arith.addi %reduce_min3A_79, %select_n3A_47 : vector<256xi32>
      %swap3A_81 = arith.constant 0 : index
      %swap3A_82 = arith.constant 0 : index
      %swap3A_83 = vector.load %arg5[%swap3A_81, %swap3A_82] : memref<1x256xi32, #tpu.memory_space<vmem>>, vector<1x256xi32>
      %swap3A_84 = vector.shape_cast %swap3A_83 : vector<1x256xi32> to vector<256xi32>
      %swap3A_85 = vector.shape_cast %add3A_80 : vector<256xi32> to vector<1x256xi32>
      tpu.vector_store %arg5[%swap3A_81, %swap3A_82], %swap3A_85 {strides = array<i32>} : memref<1x256xi32, #tpu.memory_space<vmem>>, vector<1x256xi32>,
    } else {
    }
    return
  }
  func.func @transform_0(%arg0: i32) -> (i32, i32) {
    %c0_i32 = arith.constant 0 : i32
    %c0_i32_0 = arith.constant 0 : i32
    return %arg0, %c0_i32 : i32, i32
  }
  func.func @transform_1(%arg0: i32) -> (i32, i32) {
    %c0_i32 = arith.constant 0 : i32
    %c0_i32_0 = arith.constant 0 : i32
    %c0_i32_1 = arith.constant 0 : i32
    return %c0_i32, %c0_i32_0 : i32, i32
  }
  func.func @transform_2(%arg0: i32) -> (i32, i32) {
    %c0_i32 = arith.constant 0 : i32
    %c0_i32_0 = arith.constant 0 : i32
    return %arg0, %c0_i32 : i32, i32
  }
  func.func @transform_3(%arg0: i32) -> (i32, i32) {
    %c0_i32 = arith.constant 0 : i32
    %c0_i32_0 = arith.constant 0 : i32
    return %arg0, %c0_i32 : i32, i32
  }
  func.func @transform_4(%arg0: i32) -> (i32, i32) {
    %c0_i32 = arith.constant 0 : i32
    %c0_i32_0 = arith.constant 0 : i32
    return %c0_i32, %arg0 : i32, i32
  }
}

module attributes {stable_mosaic.version = 14 : i64} {
  func.func @_lambda_(%arg0: i32, %arg1: memref<256x32xf32, #tpu.memory_space<vmem>>, %arg2: memref<32x8192xf32, #tpu.memory_space<vmem>>, %arg3: memref<256x128xf32, #tpu.memory_space<vmem>>, %arg4: memref<256x128xf32, #tpu.memory_space<vmem>>, %arg5: memref<256x128xf32, #tpu.memory_space<vmem>>, %arg6: memref<1x256xi32, #tpu.memory_space<vmem>>, %arg7: memref<32x8192xbf16, #tpu.memory_space<vmem>>, %arg8: memref<1x8192xf32, #tpu.memory_space<vmem>>, %arg9: memref<8192x128xbf16, #tpu.memory_space<vmem>>) attributes {dimension_semantics = [#tpu.dimension_semantics<arbitrary>], iteration_bounds = array<i64: 64>, scalar_prefetch = 0 : i64, scratch_operands = 3 : i64, tpu.core_type = #tpu.core_type<tc>, window_params = [{transform_indices = @transform_0, window_bounds = array<i64: 256, 32>}, {pipeline_mode = #tpu.pipeline_mode<synchronous>, transform_indices = @transform_1, window_bounds = array<i64: 32, 8192>}, {transform_indices = @transform_2, window_bounds = array<i64: 256, 128>}, {transform_indices = @transform_3, window_bounds = array<i64: 256, 128>}, {transform_indices = @transform_4, window_bounds = array<i64: 256, 128>}, {transform_indices = @transform_5, window_bounds = array<i64: 1, 256>}]} {
    %eq3A = arith.constant 0 : i32
    %eq3A_0 = arith.cmpi eq, %arg0, %eq3A : i32
    %convert_element_type3A = arith.extui %eq3A_0 : i1 to i32
    %cond3A = arith.constant 0 : i32
    %cond3A_1 = arith.cmpi ne, %convert_element_type3A, %cond3A : i32
    scf.if %cond3A_1 {
      %get3A_77 = arith.constant 0 : index
      %get3A_78 = arith.constant 0 : index
      %get3A_79 = vector.load %arg2[%get3A_77, %get3A_78] : memref<32x8192xf32, #tpu.memory_space<vmem>>, vector<32x8192xf32>
      %add3A_80 = arith.addf %get3A_79, %get3A_79 : vector<32x8192xf32>
      %convert_element_type3A_81 = arith.truncf %add3A_80 : vector<32x8192xf32> to vector<32x8192xbf16>
      %swap3A_82 = arith.constant 0 : index
      %swap3A_83 = arith.constant 0 : index
      %swap3A_84 = vector.load %arg7[%swap3A_82, %swap3A_83] : memref<32x8192xbf16, #tpu.memory_space<vmem>>, vector<32x8192xbf16>
      tpu.vector_store %arg7[%swap3A_82, %swap3A_83], %convert_element_type3A_81 {strides = array<i32>} : memref<32x8192xbf16, #tpu.memory_space<vmem>>, vector<32x8192xbf16>,
      %mul3A_85 = arith.mulf %get3A_79, %get3A_79 : vector<32x8192xf32>
      %reduce_sum3A_86 = arith.constant dense<0.000000e+00> : vector<8192xf32>
      %reduce_sum3A_87 = vector.multi_reduction <add>, %mul3A_85, %reduce_sum3A_86 [0] : vector<32x8192xf32> to vector<8192xf32>
      %broadcast_in_dim3A_88 = vector.shape_cast %reduce_sum3A_87 : vector<8192xf32> to vector<1x8192xf32>
      %swap3A_89 = arith.constant 0 : index
      %swap3A_90 = arith.constant 0 : index
      %swap3A_91 = vector.load %arg8[%swap3A_89, %swap3A_90] : memref<1x8192xf32, #tpu.memory_space<vmem>>, vector<1x8192xf32>
      tpu.vector_store %arg8[%swap3A_89, %swap3A_90], %broadcast_in_dim3A_88 {strides = array<i32>} : memref<1x8192xf32, #tpu.memory_space<vmem>>, vector<1x8192xf32>,
      %iota3A = tpu.iota {dimensions = array<i32: 0>} : vector<8192x128xi32>
      %iota3A_92 = tpu.iota {dimensions = array<i32: 1>} : vector<8192x128xi32>
      %eq3A_93 = arith.constant 0 : i32
      %eq3A_94 = vector.broadcast %eq3A_93 : i32 to vector<8192x128xi32>
      %eq3A_95 = arith.cmpi eq, %iota3A_92, %eq3A_94 : vector<8192x128xi32>
      %shift_right_arithmetic3A = arith.constant 6 : i32
      %shift_right_arithmetic3A_96 = vector.broadcast %shift_right_arithmetic3A : i32 to vector<8192x128xi32>
      %shift_right_arithmetic3A_97 = arith.shrsi %iota3A, %shift_right_arithmetic3A_96 : vector<8192x128xi32>
      %eq3A_98 = arith.constant 1 : i32
      %eq3A_99 = vector.broadcast %eq3A_98 : i32 to vector<8192x128xi32>
      %eq3A_100 = arith.cmpi eq, %iota3A_92, %eq3A_99 : vector<8192x128xi32>
      %and3A = arith.constant 63 : i32
      %and3A_101 = vector.broadcast %and3A : i32 to vector<8192x128xi32>
      %and3A_102 = arith.andi %iota3A, %and3A_101 : vector<8192x128xi32>
      %eq3A_103 = arith.constant 2 : i32
      %eq3A_104 = vector.broadcast %eq3A_103 : i32 to vector<8192x128xi32>
      %eq3A_105 = arith.cmpi eq, %iota3A_92, %eq3A_104 : vector<8192x128xi32>
      %jit3A_106 = arith.constant 1 : i32
      %jit3A_107 = arith.constant 0 : i32
      %broadcast_in_dim3A_108 = vector.broadcast %jit3A_106 : i32 to vector<8192x128xi32>
      %broadcast_in_dim3A_109 = vector.broadcast %jit3A_107 : i32 to vector<8192x128xi32>
      %select_n3A_110 = arith.select %eq3A_105, %broadcast_in_dim3A_108, %broadcast_in_dim3A_109 : vector<8192x128xi1>, vector<8192x128xi32>
      %select_n3A_111 = arith.select %eq3A_100, %and3A_102, %select_n3A_110 : vector<8192x128xi1>, vector<8192x128xi32>
      %select_n3A_112 = arith.select %eq3A_95, %shift_right_arithmetic3A_97, %select_n3A_111 : vector<8192x128xi1>, vector<8192x128xi32>
      %convert_element_type3A_113 = arith.sitofp %select_n3A_112 : vector<8192x128xi32> to vector<8192x128xbf16>
      %swap3A_114 = arith.constant 0 : index
      %swap3A_115 = arith.constant 0 : index
      %swap3A_116 = vector.load %arg9[%swap3A_114, %swap3A_115] : memref<8192x128xbf16, #tpu.memory_space<vmem>>, vector<8192x128xbf16>
      tpu.vector_store %arg9[%swap3A_114, %swap3A_115], %convert_element_type3A_113 {strides = array<i32>} : memref<8192x128xbf16, #tpu.memory_space<vmem>>, vector<8192x128xbf16>,
    } else {
    }
    %get3A = arith.constant 0 : index
    %get3A_2 = arith.constant 0 : index
    %get3A_3 = vector.load %arg1[%get3A, %get3A_2] : memref<256x32xf32, #tpu.memory_space<vmem>>, vector<256x32xf32>
    %get3A_4 = arith.constant 0 : index
    %get3A_5 = arith.constant 0 : index
    %get3A_6 = vector.load %arg3[%get3A_4, %get3A_5] : memref<256x128xf32, #tpu.memory_space<vmem>>, vector<256x32xf32>
    %sub3A = arith.subf %get3A_3, %get3A_6 : vector<256x32xf32>
    %get3A_7 = arith.constant 0 : index
    %get3A_8 = arith.constant 0 : index
    %get3A_9 = vector.load %arg4[%get3A_7, %get3A_8] : memref<256x128xf32, #tpu.memory_space<vmem>>, vector<256x32xf32>
    %sub3A_10 = arith.subf %sub3A, %get3A_9 : vector<256x32xf32>
    %get3A_11 = arith.constant 0 : index
    %get3A_12 = arith.constant 0 : index
    %get3A_13 = vector.load %arg5[%get3A_11, %get3A_12] : memref<256x128xf32, #tpu.memory_space<vmem>>, vector<256x32xf32>
    %sub3A_14 = arith.subf %sub3A_10, %get3A_13 : vector<256x32xf32>
    %mul3A = arith.mulf %sub3A_14, %sub3A_14 : vector<256x32xf32>
    %reduce_sum3A = arith.constant dense<0.000000e+00> : vector<256xf32>
    %reduce_sum3A_15 = vector.multi_reduction <add>, %mul3A, %reduce_sum3A [1] : vector<256x32xf32> to vector<256xf32>
    %broadcast_in_dim3A = vector.shape_cast %reduce_sum3A_15 : vector<256xf32> to vector<256x1xf32>
    %convert_element_type3A_16 = arith.truncf %sub3A_14 : vector<256x32xf32> to vector<256x32xbf16>
    %get3A_17 = arith.constant 0 : index
    %get3A_18 = arith.constant 0 : index
    %get3A_19 = vector.load %arg7[%get3A_17, %get3A_18] : memref<32x8192xbf16, #tpu.memory_space<vmem>>, vector<32x8192xbf16>
    %dot_general3A = arith.constant dense<0.000000e+00> : vector<256x8192xf32>
    %dot_general3A_20 = tpu.matmul %convert_element_type3A_16, %get3A_19, %dot_general3A {dimension_numbers = #tpu.dot_dimension_numbers<[1], [0], [0], [1], [0, 0, 1, 1], [], []>, transpose_lhs_hint = false} : vector<256x32xbf16>, vector<32x8192xbf16>, vector<256x8192xf32> -> vector<256x8192xf32>
    %sub3A_21 = vector.broadcast %broadcast_in_dim3A : vector<256x1xf32> to vector<256x8192xf32>
    %sub3A_22 = arith.subf %sub3A_21, %dot_general3A_20 : vector<256x8192xf32>
    %get3A_23 = arith.constant 0 : index
    %get3A_24 = arith.constant 0 : index
    %get3A_25 = vector.load %arg8[%get3A_23, %get3A_24] : memref<1x8192xf32, #tpu.memory_space<vmem>>, vector<1x8192xf32>
    %add3A = vector.broadcast %get3A_25 : vector<1x8192xf32> to vector<256x8192xf32>
    %add3A_26 = arith.addf %sub3A_22, %add3A : vector<256x8192xf32>
    %slice3A = vector.extract_strided_slice %add3A_26 {offsets = [0, 0], sizes = [256, 4096], strides = [1, 1]} : vector<256x8192xf32> to vector<256x4096xf32>
    %slice3A_27 = vector.extract_strided_slice %add3A_26 {offsets = [0, 4096], sizes = [256, 4096], strides = [1, 1]} : vector<256x8192xf32> to vector<256x4096xf32>
    %reduce_min3A = arith.constant dense<0x7F800000> : vector<256xf32>
    %reduce_min3A_28 = vector.multi_reduction <minimumf>, %slice3A, %reduce_min3A [1] : vector<256x4096xf32> to vector<256xf32>
    %broadcast_in_dim3A_29 = vector.shape_cast %reduce_min3A_28 : vector<256xf32> to vector<256x1xf32>
    %reduce_min3A_30 = arith.constant dense<0x7F800000> : vector<256xf32>
    %reduce_min3A_31 = vector.multi_reduction <minimumf>, %slice3A_27, %reduce_min3A_30 [1] : vector<256x4096xf32> to vector<256xf32>
    %broadcast_in_dim3A_32 = vector.shape_cast %reduce_min3A_31 : vector<256xf32> to vector<256x1xf32>
    %convert_element_type3A_33 = arith.truncf %broadcast_in_dim3A_29 : vector<256x1xf32> to vector<256x1xbf16>
    %convert_element_type3A_34 = arith.extf %convert_element_type3A_33 : vector<256x1xbf16> to vector<256x1xf32>
    %lt3A = arith.cmpf olt, %broadcast_in_dim3A_32, %convert_element_type3A_34 : vector<256x1xf32>
    %broadcast_in_dim3A_35 = vector.shape_cast %lt3A : vector<256x1xi1> to vector<256x1xi1>
    %broadcast_in_dim3A_36 = vector.broadcast %broadcast_in_dim3A_35 : vector<256x1xi1> to vector<256x4096xi1>
    %select_n3A = arith.select %broadcast_in_dim3A_36, %slice3A_27, %slice3A : vector<256x4096xi1>, vector<256x4096xf32>
    %select_n3A_37 = arith.select %lt3A, %broadcast_in_dim3A_32, %broadcast_in_dim3A_29 : vector<256x1xi1>, vector<256x1xf32>
    %eq3A_38 = vector.broadcast %select_n3A_37 : vector<256x1xf32> to vector<256x4096xf32>
    %eq3A_39 = arith.cmpf oeq, %select_n3A, %eq3A_38 : vector<256x4096xf32>
    %convert_element_type3A_40 = arith.extui %eq3A_39 : vector<256x4096xi1> to vector<256x4096xi32>
    %convert_element_type3A_41 = arith.sitofp %convert_element_type3A_40 : vector<256x4096xi32> to vector<256x4096xf32>
    %convert_element_type3A_42 = arith.truncf %convert_element_type3A_41 : vector<256x4096xf32> to vector<256x4096xbf16>
    %get3A_43 = arith.constant 0 : index
    %get3A_44 = arith.constant 0 : index
    %get3A_45 = vector.load %arg9[%get3A_43, %get3A_44] : memref<8192x128xbf16, #tpu.memory_space<vmem>>, vector<4096x128xbf16>
    %dot_general3A_46 = arith.constant dense<0.000000e+00> : vector<256x128xf32>
    %dot_general3A_47 = tpu.matmul %convert_element_type3A_42, %get3A_45, %dot_general3A_46 {dimension_numbers = #tpu.dot_dimension_numbers<[1], [0], [0], [1], [0, 0, 1, 1], [], []>, transpose_lhs_hint = false} : vector<256x4096xbf16>, vector<4096x128xbf16>, vector<256x128xf32> -> vector<256x128xf32>
    %squeeze3A = vector.shape_cast %lt3A : vector<256x1xi1> to vector<256xi1>
    %jit3A = arith.constant 4096 : i32
    %jit3A_48 = arith.constant 0 : i32
    %broadcast_in_dim3A_49 = vector.broadcast %jit3A : i32 to vector<256xi32>
    %broadcast_in_dim3A_50 = vector.broadcast %jit3A_48 : i32 to vector<256xi32>
    %select_n3A_51 = arith.select %squeeze3A, %broadcast_in_dim3A_49, %broadcast_in_dim3A_50 : vector<256xi1>, vector<256xi32>
    %slice3A_52 = vector.extract_strided_slice %dot_general3A_47 {offsets = [0, 0], sizes = [256, 1], strides = [1, 1]} : vector<256x128xf32> to vector<256x1xf32>
    %squeeze3A_53 = vector.shape_cast %slice3A_52 : vector<256x1xf32> to vector<256xf32>
    %convert_element_type3A_54 = arith.fptosi %squeeze3A_53 : vector<256xf32> to vector<256xi32>
    %mul3A_55 = arith.constant 64 : i32
    %mul3A_56 = vector.broadcast %mul3A_55 : i32 to vector<256xi32>
    %mul3A_57 = arith.muli %convert_element_type3A_54, %mul3A_56 : vector<256xi32>
    %slice3A_58 = vector.extract_strided_slice %dot_general3A_47 {offsets = [0, 1], sizes = [256, 1], strides = [1, 1]} : vector<256x128xf32> to vector<256x1xf32>
    %squeeze3A_59 = vector.shape_cast %slice3A_58 : vector<256x1xf32> to vector<256xf32>
    %convert_element_type3A_60 = arith.fptosi %squeeze3A_59 : vector<256xf32> to vector<256xi32>
    %add3A_61 = arith.addi %mul3A_57, %convert_element_type3A_60 : vector<256xi32>
    %add3A_62 = arith.addi %add3A_61, %select_n3A_51 : vector<256xi32>
    %swap3A = arith.constant 0 : index
    %swap3A_63 = arith.constant 0 : index
    %swap3A_64 = vector.load %arg6[%swap3A, %swap3A_63] : memref<1x256xi32, #tpu.memory_space<vmem>>, vector<1x256xi32>
    %swap3A_65 = vector.shape_cast %swap3A_64 : vector<1x256xi32> to vector<256xi32>
    %swap3A_66 = vector.shape_cast %add3A_62 : vector<256xi32> to vector<1x256xi32>
    tpu.vector_store %arg6[%swap3A, %swap3A_63], %swap3A_66 {strides = array<i32>} : memref<1x256xi32, #tpu.memory_space<vmem>>, vector<1x256xi32>,
    %slice3A_67 = vector.extract_strided_slice %dot_general3A_47 {offsets = [0, 2], sizes = [256, 1], strides = [1, 1]} : vector<256x128xf32> to vector<256x1xf32>
    %squeeze3A_68 = vector.shape_cast %slice3A_67 : vector<256x1xf32> to vector<256xf32>
    %reduce_max3A = vector.shape_cast %squeeze3A_68 : vector<256xf32> to vector<1x256xf32>
    %reduce_max3A_69 = arith.constant dense<0xFF800000> : vector<1xf32>
    %reduce_max3A_70 = vector.multi_reduction <maximumf>, %reduce_max3A, %reduce_max3A_69 [1] : vector<1x256xf32> to vector<1xf32>
    %reduce_max3A_71 = vector.shape_cast %reduce_max3A_70 : vector<1xf32> to vector<1x1xf32>
    %reduce_max3A_72 = vector.extract %reduce_max3A_71[0, 0] : f32 from vector<1x1xf32>
    %gt3A = arith.constant 1.500000e+00 : f32
    %gt3A_73 = arith.cmpf ogt, %reduce_max3A_72, %gt3A : f32
    %convert_element_type3A_74 = arith.extui %gt3A_73 : i1 to i32
    %cond3A_75 = arith.constant 0 : i32
    %cond3A_76 = arith.cmpi ne, %convert_element_type3A_74, %cond3A_75 : i32
    scf.if %cond3A_76 {
      %iota3A = tpu.iota {dimensions = array<i32: 1>} : vector<256x4096xi32>
      %eq3A_77 = vector.broadcast %select_n3A_37 : vector<256x1xf32> to vector<256x4096xf32>
      %eq3A_78 = arith.cmpf oeq, %select_n3A, %eq3A_77 : vector<256x4096xf32>
      %jit3A_79 = arith.constant 8192 : i32
      %broadcast_in_dim3A_80 = vector.broadcast %jit3A_79 : i32 to vector<256x4096xi32>
      %select_n3A_81 = arith.select %eq3A_78, %iota3A, %broadcast_in_dim3A_80 : vector<256x4096xi1>, vector<256x4096xi32>
      %reduce_min3A_82 = arith.constant dense<2147483647> : vector<256xi32>
      %reduce_min3A_83 = vector.multi_reduction <minsi>, %select_n3A_81, %reduce_min3A_82 [1] : vector<256x4096xi32> to vector<256xi32>
      %add3A_84 = arith.addi %reduce_min3A_83, %select_n3A_51 : vector<256xi32>
      %swap3A_85 = arith.constant 0 : index
      %swap3A_86 = arith.constant 0 : index
      %swap3A_87 = vector.load %arg6[%swap3A_85, %swap3A_86] : memref<1x256xi32, #tpu.memory_space<vmem>>, vector<1x256xi32>
      %swap3A_88 = vector.shape_cast %swap3A_87 : vector<1x256xi32> to vector<256xi32>
      %swap3A_89 = vector.shape_cast %add3A_84 : vector<256xi32> to vector<1x256xi32>
      tpu.vector_store %arg6[%swap3A_85, %swap3A_86], %swap3A_89 {strides = array<i32>} : memref<1x256xi32, #tpu.memory_space<vmem>>, vector<1x256xi32>,
    } else {
    }
    return
  }
  func.func @transform_0(%arg0: i32) -> (i32, i32) {
    %c0_i32 = arith.constant 0 : i32
    %c0_i32_0 = arith.constant 0 : i32
    return %arg0, %c0_i32 : i32, i32
  }
  func.func @transform_1(%arg0: i32) -> (i32, i32) {
    %c0_i32 = arith.constant 0 : i32
    %c0_i32_0 = arith.constant 0 : i32
    %c0_i32_1 = arith.constant 0 : i32
    return %c0_i32, %c0_i32_0 : i32, i32
  }
  func.func @transform_2(%arg0: i32) -> (i32, i32) {
    %c0_i32 = arith.constant 0 : i32
    %c0_i32_0 = arith.constant 0 : i32
    return %arg0, %c0_i32 : i32, i32
  }
  func.func @transform_3(%arg0: i32) -> (i32, i32) {
    %c0_i32 = arith.constant 0 : i32
    %c0_i32_0 = arith.constant 0 : i32
    return %arg0, %c0_i32 : i32, i32
  }
  func.func @transform_4(%arg0: i32) -> (i32, i32) {
    %c0_i32 = arith.constant 0 : i32
    %c0_i32_0 = arith.constant 0 : i32
    return %arg0, %c0_i32 : i32, i32
  }
  func.func @transform_5(%arg0: i32) -> (i32, i32) {
    %c0_i32 = arith.constant 0 : i32
    %c0_i32_0 = arith.constant 0 : i32
    return %c0_i32, %arg0 : i32, i32
  }
}

</mosaic_0001>

<sc_bundles>
// kernel: kernel.12.cloned.1.call-start
scs
__scs_entry_jumppad:
0x0: {  	(pc) =	sbr.rel $0x88, $3  }
0x1: {  	(tag) =	ssettag $0x0;
	lr =	simm.s32 $0x1  }
0x2: {  	[smem:$0x3F9F] =	sst lr;
	_ =	strace $0xD0000000  }
0x3: {  	_ = 	snop  }
0x4: {  	_ = 	snop  }
0x5: {  	_ = 	snop  }
0x6: {  	_ = 	snop  }
0x7: {  	_ = 	snop  }
__scs_overlays_trampoline_lowered:
0x8: {  	[smem:$0x3FAE] =	sst s0  }
0x9: {  	[smem:$0x3FAF] =	sst s1  }
0xa: {  	[smem:$0x3FB0] =	sst s2  }
0xb: {  	[smem:$0x3FB1] =	sst s3  }
0xc: {  	[smem:$0x3FB2] =	sst s4  }
0xd: {  	[smem:$0x3FB3] =	sst s5  }
0xe: {  	[smem:$0x3FB4] =	sst s6  }
0xf: {  	[smem:$0x3FB5] =	sst s7  }
0x10: {  	[smem:$0x3FB6] =	sst s8  }
0x11: {  	[smem:$0x3FB7] =	sst s9;
	s0 =	simm.s32 @!p0 $0x0  }
0x12: {  	s1 =	sld [smem:$0x3F9D];
	s0 =	simm.s32 @p0 $0x1  }
0x13: {  	[smem:$0x3FB8] =	sst s0;
	s0 =	simm.s32 @!p1 $0x0  }
0x14: {  	s2 =	sld [smem:$0x3F9C];
	s0 =	simm.s32 @p1 $0x1  }
0x15: {  	[smem:$0x3FB9] =	sst s0;
	s0 =	simm.s32 @!p2 $0x0  }
0x16: {  	s3 =	sld [smem:$0x3FDB];
	s0 =	simm.s32 @p2 $0x1  }
0x17: {  	s4 =	simm.s32 $0x1BF5;
	[smem:$0x3FBB] =	sst s0  }
0x18: {  	s0 =	sld [smem:$0x3F9E];
	_ =	swait.ge [sflag:s4], $0x0  }
0x19: {  	s7 =	sld [smem:$0x3F9F]  }
0x1a: {  	s8 =	sadd.s32 $0xFFFFE003, lr  }
0x1b: {  	s9 =	sadd.s32 $0xFFFFFEF7, lr;
	s5 =	simm.s32 $0xFFFFFFFF;
	p2 =	slt.u32 s8, $0xFFFFF086  }
0x1c: {  	p1 =	slt.u32 s9, $0xF7A;
	s5 =	simm.s32 @!p2 $0x0  }
0x1d: {  	s5 =	simm.s32 @p1 $0x1;
	p0 =	seq.s32 s7, s2  }
0x1e: {  	s7 =	smul.u32 @!p0 $0xF7A, s2;
	p2 =	seq.s32 @!p0 s5, $0x0  }
0x1f: {  	s9 =	smul.u32 $0xF7A, s1;
	s8 =	simm.s32 @!p0 $0x1BF5;
	p2 =	por !p2, p0  }
0x20: {  	[sflag:s8] =	ssyncset.s32 @!p0 $0xFFFFF086;
	s6 =	sadd.s32 @!p0 s3, s7;
	s7 =	simm.s32 @!p0 $0x108  }
0x21: {  	s3 =	sadd.s32 s3, s9;
	s6 =	sadd.s32 @!p0 $0x88, s6;
	s7 =	simm.s32 @p2 $0x1082  }
0x22: {  	[simem:s7], [sflag:s8] =	dma.local @!p0 [hbm:s6], $0xF7A  }
0x23: {  	s9 =	sor.u32 $0xD0000000, s2;
	s6 =	simm.s32 $0x108;
	_ =	swait.ge @!p0 [sflag:s8], $0x0  }
0x24: {  	s3 =	sadd.s32 $0x88, s3;
	s6 =	simm.s32 @!p1 $0x1082;
	[sflag:s4] =	ssyncset.s32 $0xFFFFF086  }
0x25: {  	[simem:s6], [sflag:s4] =	dma.local [hbm:s3], $0xF7A  }
0x26: {  	[smem:$0x3F9F] =	sst s1;
	(tag) =	ssettag s2;
	_ =	strace s9  }
0x27: {  	s1 =	sld [smem:$0x3FAF]  }
0x28: {  	s2 =	sld [smem:$0x3FB0]  }
0x29: {  	s4 =	sld [smem:$0x3FB2]  }
0x2a: {  	p0 =	seq.s32 s5, $0x0;
	s5 =	sld [smem:$0x3FB3]  }
0x2b: {  	s6 =	sld [smem:$0x3FB4]  }
0x2c: {  	s7 =	sld [smem:$0x3FB5]  }
0x2d: {  	s3 =	simm.s32 $0x108;
	s8 =	sld [smem:$0x3FB6]  }
0x2e: {  	s3 =	simm.s32 @!p0 $0x1082;
	s9 =	sld [smem:$0x3FB7]  }
0x2f: {  	lr =	sadd.s32 s0, s3;
	s0 =	sld [smem:$0x3FAE]  }
0x30: {  	s3 =	sld [smem:$0x3FB1]  }
0x31: {  	[smem:$0x3FBA] =	sst s10  }
0x32: {  	s10 =	sld [smem:$0x3FB8];
	_ =	sdelay $0x3  }
0x33: {  	p0 =	seq.s32 s10, $0x1;
	s10 =	sld [smem:$0x3FBA];
	_ =	sdelay $0x3  }
0x34: {  	[smem:$0x3FBA] =	sst s10  }
0x35: {  	s10 =	sld [smem:$0x3FB9];
	_ =	sdelay $0x3  }
0x36: {  	p1 =	seq.s32 s10, $0x1;
	s10 =	sld [smem:$0x3FBA];
	_ =	sdelay $0x3  }
0x37: {  	[smem:$0x3FBA] =	sst s10  }
0x38: {  	s10 =	sld [smem:$0x3FBB]  }
0x39: {  	_ = 	snop;
	(pc) =	sbr.ind lr, $3  }
0x3a: {  	_ = 	snop  }
0x3b: {  	_ = 	snop  }
0x3c: {  	p2 =	seq.s32 s10, $0x1;
	s10 =	sld [smem:$0x3FBA]  }
0x3d: {  	_ =	shalt  }
0x3e: {  	_ =	shalt  }
0x3f: {  	_ =	shalt  }
0x40: {  	_ =	shalt  }
0x41: {  	_ =	shalt  }
0x42: {  	_ =	shalt  }
0x43: {  	_ =	shalt  }
0x44: {  	_ =	shalt  }
0x45: {  	_ =	shalt  }
0x46: {  	_ =	shalt  }
0x47: {  	_ =	shalt  }
0x48: {  	_ =	shalt  }
0x49: {  	_ =	shalt  }
0x4a: {  	_ =	shalt  }
0x4b: {  	_ =	shalt  }
0x4c: {  	_ =	shalt  }
0x4d: {  	_ =	shalt  }
0x4e: {  	_ =	shalt  }
0x4f: {  	_ =	shalt  }
0x50: {  	_ =	shalt  }
0x51: {  	_ =	shalt  }
0x52: {  	_ =	shalt  }
0x53: {  	_ =	shalt  }
0x54: {  	_ =	shalt  }
0x55: {  	_ =	shalt  }
0x56: {  	_ =	shalt  }
0x57: {  	_ =	shalt  }
0x58: {  	_ =	shalt  }
0x59: {  	_ =	shalt  }
0x5a: {  	_ =	shalt  }
0x5b: {  	_ =	shalt  }
0x5c: {  	_ =	shalt  }
0x5d: {  	_ =	shalt  }
0x5e: {  	_ =	shalt  }
0x5f: {  	_ =	shalt  }
0x60: {  	_ =	shalt  }
0x61: {  	_ =	shalt  }
0x62: {  	_ =	shalt  }
0x63: {  	_ =	shalt  }
0x64: {  	_ =	shalt  }
0x65: {  	_ =	shalt  }
0x66: {  	_ =	shalt  }
0x67: {  	_ =	shalt  }
0x68: {  	_ =	shalt  }
0x69: {  	_ =	shalt  }
0x6a: {  	_ =	shalt  }
0x6b: {  	_ =	shalt  }
0x6c: {  	_ =	shalt  }
0x6d: {  	_ =	shalt  }
0x6e: {  	_ =	shalt  }
0x6f: {  	_ =	shalt  }
0x70: {  	_ =	shalt  }
0x71: {  	_ =	shalt  }
0x72: {  	_ =	shalt  }
0x73: {  	_ =	shalt  }
0x74: {  	_ =	shalt  }
0x75: {  	_ =	shalt  }
0x76: {  	_ =	shalt  }
0x77: {  	_ =	shalt  }
0x78: {  	_ =	shalt  }
0x79: {  	_ =	shalt  }
0x7a: {  	_ =	shalt  }
0x7b: {  	_ =	shalt  }
0x7c: {  	_ =	shalt  }
0x7d: {  	_ =	shalt  }
0x7e: {  	_ =	shalt  }
0x7f: {  	_ =	shalt  }
0x80: {  	_ =	shalt  }
0x81: {  	_ =	shalt  }
0x82: {  	_ =	shalt  }
0x83: {  	_ =	shalt  }
0x84: {  	_ =	shalt  }
0x85: {  	_ =	shalt  }
0x86: {  	_ =	shalt  }
0x87: {  	_ =	shalt  }
.Lfunc_end0:
.L_simem_size_0:
called_computation.1_lowered:
.L_overlay_start_0:
0x88: {  	s2 =	sld [smem:$0x3FD9]  }
0x89: {  	s3 =	sld [smem:$0x3FFE];
	_ =	sdelay $0x1  }
0x8a: {  	s1 =	srdreg.scid  }
0x8b: {  	s0 =	sand.u32 $0x1, s1  }
0x8c: {  	s16 =	sshll.u32 s0, $0xA;
	s2 =	sadd.s32 s3, s2  }
0x8d: {  	s2 =	sadd.s32 s2, s16  }
0x8e: {  	[smem:$0x3FC6] =	sst s2  }
0x8f: {  	_ = 	snop  }
0x90: {  	(tm) =	ssettm $0x1  }
0x91: {  	s17 =	sld [smem:$0x3FFB];
	_ =	sdelay $0x3  }
0x92: {  	_ =	strace s17  }
0x93: {  	s2 =	sld [smem:$0x3FFC];
	_ =	sdelay $0x3  }
0x94: {  	_ =	strace s2  }
0x95: {  	s2 =	sld [smem:$0x3FFD];
	_ =	sdelay $0x3  }
0x96: {  	_ =	strace s2  }
0x97: {  	_ =	strace $0x8FFFFFFF  }
0x98: {  	s18 =	sld [smem:$0x3FDB];
	_ =	sdelay $0x1  }
0x99: {  	s19 =	simm.s32 $_scs_section_size  }
0x9a: {  	s4 =	simm.s32 $_size__tile_overlayer_lowered;
	s5 =	simm.s32 $_tile_overlayer_lowered  }
0x9b: {  	s22 =	simm.s32 $0x1BFF;
	s21 =	sshll.u32 s5, $0x1;
	s2 =	sadd.s32 s19, s18  }
0x9c: {  	s6 =	simm.s32 $0x0;
	s20 =	sshll.u32 s4, $0x1;
	s4 =	sadd.s32 s21, s2  }
0x9d: {  	[timem:s6], [sflag:s22] =	dma.local [hbm:s4], s20  }
0x9e: {  	_ =	swait.ge [sflag:s22], s20  }
0x9f: {  	s3 =	ssub.s32 $0x0, s20;
	[sflag:s22] =	ssyncset.done $0x0  }
0xa0: {  	[sflag:s22] =	ssyncadd.s32 s3;
	_ =	sdelay $0x1  }
0xa1: {  	s23 =	simm.s32 $0x1B8B  }
0xa2: {  	_ =	swait.ge [sflag:s23], $0x1  }
0xa3: {  	[sflag:s23] =	ssyncset.done $0x0  }
0xa4: {  	s25 =	simm.s32 $0x1B8E;
	s24 =	sld [smem:$0x3FFE];
	[sflag:s23] =	ssyncadd.s32 $0xFFFFFFFF  }
0xa5: {  	s26 =	simm.s32 $execute0_lowered;
	[smem:$0x3FD2] =	sst s25  }
0xa6: {  	s4 =	sshll.u32 s26, $0x1;
	_ =	strace $0x80000049;
	[dreg:$0x1] =	wrdreg $0xFFFFFFFF  }
0xa7: {  	s28 =	simm.s32 $_size_execute0_lowered;
	s2 =	sadd.s32 s2, s4;
	[dreg:$0x0] =	wrdreg $0x0  }
0xa8: {  	s4 =	sshll.u32 s28, $0x1;
	[dreg:$0x2] =	wrdreg s2  }
0xa9: {  	[dreg:$0x3] =	wrdreg s4  }
0xaa: {  	[dreg:$0x4] =	wrdreg $0xC0  }
0xab: {  	_ =	task [dreg:s6], $0x5FFFF  }
0xac: {  	[dreg:$0x1] =	wrdreg $0xFFFFFFFF  }
0xad: {  	[dreg:$0x0] =	wrdreg $0x60  }
0xae: {  	[dreg:$0x2] =	wrdreg s24  }
0xaf: {  	[dreg:$0x3] =	wrdreg $0x9  }
0xb0: {  	_ =	task.clear_ibuf [dreg:s6], $0x4FFFF;
	_ =	strace $0x90000049  }
0xb1: {  	s29 =	simm.s32 $0x9;
	_ =	strace $0x8000004B  }
0xb2: {  	_ =	swait.ge [sflag:s29], $0x1  }
0xb3: {  	[sflag:s29] =	ssyncadd.s32 $0xFFFFFFFF  }
0xb4: {  	_ =	strace $0x9000004B  }
0xb5: {  	_ =	sfence  }
0xb6: {  	s30 =	sld [smem:$0x0];
	_ =	sdelay $0x2  }
0xb7: {  	s31 =	sshll.u32 s1, $0xD;
	s1 =	sshrl.u32 s1, $0x2  }
0xb8: {  	s3 =	sand.u32 $0x4000, s31;
	s1 =	sadd.s32 s1, s30  }
0xb9: {  	s0 =	sor.u32 s3, s0;
	s1 =	sshll.u32 s1, $0x11  }
0xba: {  	s0 =	sor.u32 s1, s0  }
0xbb: {  	s0 =	sadd.s32 $0x8F2B, s0  }
0xbc: {  	[sflag:s0] =	ssyncadd.remote.s32 $0x1  }
0xbd: {  	_ =	sfence.sel $0xFFFF  }
0xbe: {  	[dreg:$0x0] =	wrdreg $0xFFFFFFFF;
	(pc) =	sbr.abs _section_cstart, $3  }
0xbf: {  	[dreg:$0x1] =	wrdreg $0xFFFFFFFF  }
0xc0: {  	_ =	task.clear_ibuf [dreg:s6], $0x2FFFF;
	_ =	strace $0x9FFFFFFF  }
0xc1: {  	(tm) =	ssettm $0x7FFFFFFF  }
tec
execute0_lowered:
.L_overlay_start_1:
0x0: {  	(tag) =	ssettag $0x1  }
0x1: {  	s1 =	srdreg.scid  }
0x2: {  	s0 =	stileid.u32;
	s6 =	sand.u32 $0x1, s1  }
0x3: {  	s8 =	rddreg [dreg:$0x0];
	s30 =	sshll.u32 s0, $0xA;
	s2 =	sshll.u32 s6, $0x9  }
0x4: {  	s7 =	simm.s32 $0x1;
	s1 =	rddreg [dreg:$0x1];
	s9 =	sor.u32 s2, s30  }
0x5: {  	s5 =	sadd.s32 $0xA2200, s8;
	s2 =	simm.s32 $0x0;
	s3 =	sshrl.u32 s9, $0x3  }
0x6: {  	s10 =	ssub.s32 $0x2, s6;
	[smem:$0x7FF] =	sst s2;
	s3 =	sadd.s32 s3, s8  }
0x7: {  	_ =	strace $0x8000004A;
	s4 =	sadd.s32 $0x2200, s3;
	s3 =	simm.s32 $0x2  }
0x8: {  	[tilespmem:s2], [sflag:$0x2] =	stream.linear.gather [hbm4b:s4+s2], $0x200, $0x38;
	[tilespmem:$0x10200] =	vst v63  }
0x9: {  	s6 =	simm.s32 $0x200;
	s11 =	sshrl.u32 s10, $0x1;
	_ =	swait.ge [sflag:s3], $0x200  }
0xa: {  	s9 =	sshll.u32 s9, $0x4;
	s31 =	ssub.s32 s10, s11;
	[sflag:s3] =	ssyncset.done $0x0  }
0xb: {  	s8 =	sadd.s32 s9, s8;
	s9 =	smax.u32 s31, $0x1;
	[sflag:s3] =	ssyncadd.s32 $0xFFFFFE00  }
0xc: {  	[tilespmem:s6], [sflag:$0x1] =	stream.indirect.gather [hbm4b:s5+s6], $0x80, s2, s6, $0xb8;
	[tilespmem:$0x10200] =	vst v63  }
0xd: {  	p0 =	sne.s32 s9, $0x1;
	_ =	swait.ge [sflag:s7], $0x10000  }
.Ltmp0:
0xe: {  	[sflag:s7] =	ssyncset.done $0x0;
	(pc) =	sbr.rel @!p0 .LBB2_2-.Ltmp0, $4  }
0xf: {  	s8 =	sadd.s32 $0x2A00, s8;
	[sflag:s7] =	ssyncadd.s32 $0xFFFF0000  }
0x10: {  	[hbm4b:s8+s2] =	stream.linear.scatter [tilespmem:s6], [sflag:$0x2], $0x10000, $0x38;
	[tilespmem:$0x10200] =	vst v63  }
0x11: {  	_ =	swait.ge [sflag:s3], $0x10000  }
0x12: {  	s9 =	sadd.s32 $0xFFFFFFFF, s9;
	[sflag:s3] =	ssyncset.done $0x0  }
.LBB2_1:
0x13: {  	p0 =	sne.s32 s9, $0x1;
	s9 =	sadd.s32 $0xFFFFFFFF, s9;
	[sflag:s3] =	ssyncadd.s32 $0xFFFF0000  }
0x14: {  	[tilespmem:s2], [sflag:$0x2] =	stream.linear.gather [hbm4b:s4+s2], $0x200, $0x38;
	[tilespmem:$0x10200] =	vst v63  }
0x15: {  	_ =	swait.ge [sflag:s3], $0x200  }
0x16: {  	[sflag:s3] =	ssyncset.done $0x0  }
0x17: {  	[sflag:s3] =	ssyncadd.s32 $0xFFFFFE00  }
0x18: {  	[tilespmem:s6], [sflag:$0x1] =	stream.indirect.gather [hbm4b:s5+s6], $0x80, s2, s6, $0xb8;
	[tilespmem:$0x10200] =	vst v63  }
0x19: {  	_ =	swait.ge [sflag:s7], $0x10000  }
.Ltmp1:
0x1a: {  	[sflag:s7] =	ssyncset.done $0x0;
	(pc) =	sbr.rel @p0 .LBB2_1-.Ltmp1, $4  }
0x1b: {  	[sflag:s7] =	ssyncadd.s32 $0xFFFF0000  }
0x1c: {  	[hbm4b:s8+s2] =	stream.linear.scatter [tilespmem:s6], [sflag:$0x2], $0x10000, $0x38;
	[tilespmem:$0x10200] =	vst v63  }
0x1d: {  	_ =	swait.ge [sflag:s3], $0x10000  }
0x1e: {  	[sflag:s3] =	ssyncset.done $0x0  }
.LBB2_2:
0x1f: {  	[sflag:s3] =	ssyncadd.s32 $0xFFFF0000  }
0x20: {  	_ =	sfence.sel $0x180000  }
0x21: {  	[bflag:$0x0] =	sbarrier.arrive $0xFFFF  }
0x22: {  	p0 =	sne.s32 s0, $0x0;
	_ =	strace $0x9000004A  }
0x23: {  	s0 =	sadd.s32 @!p0 $0x100000, s1;
	[bflag:$0x2] =	sbarrier.arrive $0xFFFF  }
0x24: {  	[sflag:s0] =	ssyncadd.tile.s32 @!p0 $0x1;
	_ =	shalt  }
.Lfunc_end2:
_tile_overlayer_lowered:
.L_overlay_start_2:
0x25: {  	(tag) =	ssettag $0x2  }
0x26: {  	s0 =	rddreg [dreg:$0x0];
	s2 =	stileid.u32  }
0x27: {  	s1 =	rddreg [dreg:$0x1];
	p0 =	sne.s32 s2, $0x0  }
0x28: {  	s3 =	rddreg [dreg:$0x2];
	[bflag:$0x3] =	sbarrier.arrive $0xFFFF;
	s2 =	simm.s32 @!p0 $0x1C02  }
0x29: {  	[timem:s3], [sflag:s2] =	dma.local @!p0 [hbm:s0], s1  }
0x2a: {  	s0 =	simm.s32 @!p0 $0x2  }
0x2b: {  	_ =	swait.ge @!p0 [sflag:s0], s1  }
0x2c: {  	s1 =	ssub.s32 @!p0 $0x0, s1;
	[sflag:s0] =	ssyncset.done @!p0 $0x0  }
0x2d: {  	[sflag:s0] =	ssyncadd.s32 @!p0 s1  }
0x2e: {  	[bflag:$0x3] =	sbarrier.arrive $0xFFFF  }
0x2f: {  	_ =	shalt  }

// kernel: kernel.15.cloned.1.call-start
scs
__scs_entry_jumppad:
0x0: {  	(pc) =	sbr.rel $0x88, $3  }
0x1: {  	(tag) =	ssettag $0x0;
	lr =	simm.s32 $0x1  }
0x2: {  	[smem:$0x3F9F] =	sst lr;
	_ =	strace $0xD0000000  }
0x3: {  	_ = 	snop  }
0x4: {  	_ = 	snop  }
0x5: {  	_ = 	snop  }
0x6: {  	_ = 	snop  }
0x7: {  	_ = 	snop  }
__scs_overlays_trampoline_lowered:
0x8: {  	[smem:$0x3FAE] =	sst s0  }
0x9: {  	[smem:$0x3FAF] =	sst s1  }
0xa: {  	[smem:$0x3FB0] =	sst s2  }
0xb: {  	[smem:$0x3FB1] =	sst s3  }
0xc: {  	[smem:$0x3FB2] =	sst s4  }
0xd: {  	[smem:$0x3FB3] =	sst s5  }
0xe: {  	[smem:$0x3FB4] =	sst s6  }
0xf: {  	[smem:$0x3FB5] =	sst s7  }
0x10: {  	[smem:$0x3FB6] =	sst s8  }
0x11: {  	[smem:$0x3FB7] =	sst s9;
	s0 =	simm.s32 @!p0 $0x0  }
0x12: {  	s1 =	sld [smem:$0x3F9D];
	s0 =	simm.s32 @p0 $0x1  }
0x13: {  	[smem:$0x3FB8] =	sst s0;
	s0 =	simm.s32 @!p1 $0x0  }
0x14: {  	s2 =	sld [smem:$0x3F9C];
	s0 =	simm.s32 @p1 $0x1  }
0x15: {  	[smem:$0x3FB9] =	sst s0;
	s0 =	simm.s32 @!p2 $0x0  }
0x16: {  	s3 =	sld [smem:$0x3FDB];
	s0 =	simm.s32 @p2 $0x1  }
0x17: {  	s4 =	simm.s32 $0x1BF5;
	[smem:$0x3FBB] =	sst s0  }
0x18: {  	s0 =	sld [smem:$0x3F9E];
	_ =	swait.ge [sflag:s4], $0x0  }
0x19: {  	s7 =	sld [smem:$0x3F9F]  }
0x1a: {  	s8 =	sadd.s32 $0xFFFFE003, lr  }
0x1b: {  	s9 =	sadd.s32 $0xFFFFFEF7, lr;
	s5 =	simm.s32 $0xFFFFFFFF;
	p2 =	slt.u32 s8, $0xFFFFF086  }
0x1c: {  	p1 =	slt.u32 s9, $0xF7A;
	s5 =	simm.s32 @!p2 $0x0  }
0x1d: {  	s5 =	simm.s32 @p1 $0x1;
	p0 =	seq.s32 s7, s2  }
0x1e: {  	s7 =	smul.u32 @!p0 $0xF7A, s2;
	p2 =	seq.s32 @!p0 s5, $0x0  }
0x1f: {  	s9 =	smul.u32 $0xF7A, s1;
	s8 =	simm.s32 @!p0 $0x1BF5;
	p2 =	por !p2, p0  }
0x20: {  	[sflag:s8] =	ssyncset.s32 @!p0 $0xFFFFF086;
	s6 =	sadd.s32 @!p0 s3, s7;
	s7 =	simm.s32 @!p0 $0x108  }
0x21: {  	s3 =	sadd.s32 s3, s9;
	s6 =	sadd.s32 @!p0 $0x88, s6;
	s7 =	simm.s32 @p2 $0x1082  }
0x22: {  	[simem:s7], [sflag:s8] =	dma.local @!p0 [hbm:s6], $0xF7A  }
0x23: {  	s9 =	sor.u32 $0xD0000000, s2;
	s6 =	simm.s32 $0x108;
	_ =	swait.ge @!p0 [sflag:s8], $0x0  }
0x24: {  	s3 =	sadd.s32 $0x88, s3;
	s6 =	simm.s32 @!p1 $0x1082;
	[sflag:s4] =	ssyncset.s32 $0xFFFFF086  }
0x25: {  	[simem:s6], [sflag:s4] =	dma.local [hbm:s3], $0xF7A  }
0x26: {  	[smem:$0x3F9F] =	sst s1;
	(tag) =	ssettag s2;
	_ =	strace s9  }
0x27: {  	s1 =	sld [smem:$0x3FAF]  }
0x28: {  	s2 =	sld [smem:$0x3FB0]  }
0x29: {  	s4 =	sld [smem:$0x3FB2]  }
0x2a: {  	p0 =	seq.s32 s5, $0x0;
	s5 =	sld [smem:$0x3FB3]  }
0x2b: {  	s6 =	sld [smem:$0x3FB4]  }
0x2c: {  	s7 =	sld [smem:$0x3FB5]  }
0x2d: {  	s3 =	simm.s32 $0x108;
	s8 =	sld [smem:$0x3FB6]  }
0x2e: {  	s3 =	simm.s32 @!p0 $0x1082;
	s9 =	sld [smem:$0x3FB7]  }
0x2f: {  	lr =	sadd.s32 s0, s3;
	s0 =	sld [smem:$0x3FAE]  }
0x30: {  	s3 =	sld [smem:$0x3FB1]  }
0x31: {  	[smem:$0x3FBA] =	sst s10  }
0x32: {  	s10 =	sld [smem:$0x3FB8];
	_ =	sdelay $0x3  }
0x33: {  	p0 =	seq.s32 s10, $0x1;
	s10 =	sld [smem:$0x3FBA];
	_ =	sdelay $0x3  }
0x34: {  	[smem:$0x3FBA] =	sst s10  }
0x35: {  	s10 =	sld [smem:$0x3FB9];
	_ =	sdelay $0x3  }
0x36: {  	p1 =	seq.s32 s10, $0x1;
	s10 =	sld [smem:$0x3FBA];
	_ =	sdelay $0x3  }
0x37: {  	[smem:$0x3FBA] =	sst s10  }
0x38: {  	s10 =	sld [smem:$0x3FBB]  }
0x39: {  	_ = 	snop;
	(pc) =	sbr.ind lr, $3  }
0x3a: {  	_ = 	snop  }
0x3b: {  	_ = 	snop  }
0x3c: {  	p2 =	seq.s32 s10, $0x1;
	s10 =	sld [smem:$0x3FBA]  }
0x3d: {  	_ =	shalt  }
0x3e: {  	_ =	shalt  }
0x3f: {  	_ =	shalt  }
0x40: {  	_ =	shalt  }
0x41: {  	_ =	shalt  }
0x42: {  	_ =	shalt  }
0x43: {  	_ =	shalt  }
0x44: {  	_ =	shalt  }
0x45: {  	_ =	shalt  }
0x46: {  	_ =	shalt  }
0x47: {  	_ =	shalt  }
0x48: {  	_ =	shalt  }
0x49: {  	_ =	shalt  }
0x4a: {  	_ =	shalt  }
0x4b: {  	_ =	shalt  }
0x4c: {  	_ =	shalt  }
0x4d: {  	_ =	shalt  }
0x4e: {  	_ =	shalt  }
0x4f: {  	_ =	shalt  }
0x50: {  	_ =	shalt  }
0x51: {  	_ =	shalt  }
0x52: {  	_ =	shalt  }
0x53: {  	_ =	shalt  }
0x54: {  	_ =	shalt  }
0x55: {  	_ =	shalt  }
0x56: {  	_ =	shalt  }
0x57: {  	_ =	shalt  }
0x58: {  	_ =	shalt  }
0x59: {  	_ =	shalt  }
0x5a: {  	_ =	shalt  }
0x5b: {  	_ =	shalt  }
0x5c: {  	_ =	shalt  }
0x5d: {  	_ =	shalt  }
0x5e: {  	_ =	shalt  }
0x5f: {  	_ =	shalt  }
0x60: {  	_ =	shalt  }
0x61: {  	_ =	shalt  }
0x62: {  	_ =	shalt  }
0x63: {  	_ =	shalt  }
0x64: {  	_ =	shalt  }
0x65: {  	_ =	shalt  }
0x66: {  	_ =	shalt  }
0x67: {  	_ =	shalt  }
0x68: {  	_ =	shalt  }
0x69: {  	_ =	shalt  }
0x6a: {  	_ =	shalt  }
0x6b: {  	_ =	shalt  }
0x6c: {  	_ =	shalt  }
0x6d: {  	_ =	shalt  }
0x6e: {  	_ =	shalt  }
0x6f: {  	_ =	shalt  }
0x70: {  	_ =	shalt  }
0x71: {  	_ =	shalt  }
0x72: {  	_ =	shalt  }
0x73: {  	_ =	shalt  }
0x74: {  	_ =	shalt  }
0x75: {  	_ =	shalt  }
0x76: {  	_ =	shalt  }
0x77: {  	_ =	shalt  }
0x78: {  	_ =	shalt  }
0x79: {  	_ =	shalt  }
0x7a: {  	_ =	shalt  }
0x7b: {  	_ =	shalt  }
0x7c: {  	_ =	shalt  }
0x7d: {  	_ =	shalt  }
0x7e: {  	_ =	shalt  }
0x7f: {  	_ =	shalt  }
0x80: {  	_ =	shalt  }
0x81: {  	_ =	shalt  }
0x82: {  	_ =	shalt  }
0x83: {  	_ =	shalt  }
0x84: {  	_ =	shalt  }
0x85: {  	_ =	shalt  }
0x86: {  	_ =	shalt  }
0x87: {  	_ =	shalt  }
.Lfunc_end0:
.L_simem_size_0:
called_computation.2_lowered:
.L_overlay_start_0:
0x88: {  	s2 =	sld [smem:$0x3FD9]  }
0x89: {  	s3 =	sld [smem:$0x3FFE];
	_ =	sdelay $0x1  }
0x8a: {  	s1 =	srdreg.scid  }
0x8b: {  	s0 =	sand.u32 $0x1, s1  }
0x8c: {  	s16 =	sshll.u32 s0, $0xA;
	s2 =	sadd.s32 s3, s2  }
0x8d: {  	s2 =	sadd.s32 s2, s16  }
0x8e: {  	[smem:$0x3FC6] =	sst s2  }
0x8f: {  	_ = 	snop  }
0x90: {  	(tm) =	ssettm $0x1  }
0x91: {  	s17 =	sld [smem:$0x3FFB];
	_ =	sdelay $0x3  }
0x92: {  	_ =	strace s17  }
0x93: {  	s2 =	sld [smem:$0x3FFC];
	_ =	sdelay $0x3  }
0x94: {  	_ =	strace s2  }
0x95: {  	s2 =	sld [smem:$0x3FFD];
	_ =	sdelay $0x3  }
0x96: {  	_ =	strace s2  }
0x97: {  	_ =	strace $0x8FFFFFFF  }
0x98: {  	s18 =	sld [smem:$0x3FDB];
	_ =	sdelay $0x1  }
0x99: {  	s19 =	simm.s32 $_scs_section_size  }
0x9a: {  	s4 =	simm.s32 $_size__tile_overlayer_lowered;
	s5 =	simm.s32 $_tile_overlayer_lowered  }
0x9b: {  	s22 =	simm.s32 $0x1BFF;
	s21 =	sshll.u32 s5, $0x1;
	s2 =	sadd.s32 s19, s18  }
0x9c: {  	s6 =	simm.s32 $0x0;
	s20 =	sshll.u32 s4, $0x1;
	s4 =	sadd.s32 s21, s2  }
0x9d: {  	[timem:s6], [sflag:s22] =	dma.local [hbm:s4], s20  }
0x9e: {  	_ =	swait.ge [sflag:s22], s20  }
0x9f: {  	s3 =	ssub.s32 $0x0, s20;
	[sflag:s22] =	ssyncset.done $0x0  }
0xa0: {  	[sflag:s22] =	ssyncadd.s32 s3;
	_ =	sdelay $0x1  }
0xa1: {  	s23 =	simm.s32 $0x1B8B  }
0xa2: {  	_ =	swait.ge [sflag:s23], $0x1  }
0xa3: {  	[sflag:s23] =	ssyncset.done $0x0  }
0xa4: {  	s25 =	simm.s32 $0x1B8E;
	s24 =	sld [smem:$0x3FFE];
	[sflag:s23] =	ssyncadd.s32 $0xFFFFFFFF  }
0xa5: {  	s26 =	simm.s32 $execute0_lowered;
	[smem:$0x3FD2] =	sst s25  }
0xa6: {  	s4 =	sshll.u32 s26, $0x1;
	_ =	strace $0x8000004C;
	[dreg:$0x1] =	wrdreg $0xFFFFFFFF  }
0xa7: {  	s28 =	simm.s32 $_size_execute0_lowered;
	s2 =	sadd.s32 s2, s4;
	[dreg:$0x0] =	wrdreg $0x0  }
0xa8: {  	s4 =	sshll.u32 s28, $0x1;
	[dreg:$0x2] =	wrdreg s2  }
0xa9: {  	[dreg:$0x3] =	wrdreg s4  }
0xaa: {  	[dreg:$0x4] =	wrdreg $0xC0  }
0xab: {  	_ =	task [dreg:s6], $0x5FFFF  }
0xac: {  	[dreg:$0x1] =	wrdreg $0xFFFFFFFF  }
0xad: {  	[dreg:$0x0] =	wrdreg $0x60  }
0xae: {  	[dreg:$0x2] =	wrdreg s24  }
0xaf: {  	[dreg:$0x3] =	wrdreg $0x9  }
0xb0: {  	_ =	task.clear_ibuf [dreg:s6], $0x4FFFF;
	_ =	strace $0x9000004C  }
0xb1: {  	s29 =	simm.s32 $0x9;
	_ =	strace $0x8000004E  }
0xb2: {  	_ =	swait.ge [sflag:s29], $0x1  }
0xb3: {  	[sflag:s29] =	ssyncadd.s32 $0xFFFFFFFF  }
0xb4: {  	_ =	strace $0x9000004E  }
0xb5: {  	_ =	sfence  }
0xb6: {  	s30 =	sld [smem:$0x0];
	_ =	sdelay $0x2  }
0xb7: {  	s31 =	sshll.u32 s1, $0xD;
	s1 =	sshrl.u32 s1, $0x2  }
0xb8: {  	s3 =	sand.u32 $0x4000, s31;
	s1 =	sadd.s32 s1, s30  }
0xb9: {  	s0 =	sor.u32 s3, s0;
	s1 =	sshll.u32 s1, $0x11  }
0xba: {  	s0 =	sor.u32 s1, s0  }
0xbb: {  	s0 =	sadd.s32 $0x8F2B, s0  }
0xbc: {  	[sflag:s0] =	ssyncadd.remote.s32 $0x1  }
0xbd: {  	_ =	sfence.sel $0xFFFF  }
0xbe: {  	[dreg:$0x0] =	wrdreg $0xFFFFFFFF;
	(pc) =	sbr.abs _section_cstart, $3  }
0xbf: {  	[dreg:$0x1] =	wrdreg $0xFFFFFFFF  }
0xc0: {  	_ =	task.clear_ibuf [dreg:s6], $0x2FFFF;
	_ =	strace $0x9FFFFFFF  }
0xc1: {  	(tm) =	ssettm $0x7FFFFFFF  }
tec
execute0_lowered:
.L_overlay_start_1:
0x0: {  	(tag) =	ssettag $0x1  }
0x1: {  	s1 =	srdreg.scid  }
0x2: {  	s0 =	stileid.u32;
	s6 =	sand.u32 $0x1, s1  }
0x3: {  	s8 =	rddreg [dreg:$0x0];
	s30 =	sshll.u32 s0, $0xA;
	s2 =	sshll.u32 s6, $0x9  }
0x4: {  	s7 =	simm.s32 $0x1;
	s1 =	rddreg [dreg:$0x1];
	s9 =	sor.u32 s2, s30  }
0x5: {  	s5 =	sadd.s32 $0xC2200, s8;
	s2 =	simm.s32 $0x0;
	s3 =	sshrl.u32 s9, $0x3  }
0x6: {  	s10 =	ssub.s32 $0x2, s6;
	[smem:$0x7FF] =	sst s2;
	s3 =	sadd.s32 s3, s8  }
0x7: {  	_ =	strace $0x8000004D;
	s4 =	sadd.s32 $0x42A00, s3;
	s3 =	simm.s32 $0x2  }
0x8: {  	[tilespmem:s2], [sflag:$0x2] =	stream.linear.gather [hbm4b:s4+s2], $0x200, $0x38;
	[tilespmem:$0x10200] =	vst v63  }
0x9: {  	s6 =	simm.s32 $0x200;
	s11 =	sshrl.u32 s10, $0x1;
	_ =	swait.ge [sflag:s3], $0x200  }
0xa: {  	s9 =	sshll.u32 s9, $0x4;
	s31 =	ssub.s32 s10, s11;
	[sflag:s3] =	ssyncset.done $0x0  }
0xb: {  	s8 =	sadd.s32 s9, s8;
	s9 =	smax.u32 s31, $0x1;
	[sflag:s3] =	ssyncadd.s32 $0xFFFFFE00  }
0xc: {  	[tilespmem:s6], [sflag:$0x1] =	stream.indirect.gather [hbm4b:s5+s6], $0x80, s2, s6, $0xb8;
	[tilespmem:$0x10200] =	vst v63  }
0xd: {  	p0 =	sne.s32 s9, $0x1;
	_ =	swait.ge [sflag:s7], $0x10000  }
.Ltmp0:
0xe: {  	[sflag:s7] =	ssyncset.done $0x0;
	(pc) =	sbr.rel @!p0 .LBB2_2-.Ltmp0, $4  }
0xf: {  	s8 =	sadd.s32 $0x43200, s8;
	[sflag:s7] =	ssyncadd.s32 $0xFFFF0000  }
0x10: {  	[hbm4b:s8+s2] =	stream.linear.scatter [tilespmem:s6], [sflag:$0x2], $0x10000, $0x38;
	[tilespmem:$0x10200] =	vst v63  }
0x11: {  	_ =	swait.ge [sflag:s3], $0x10000  }
0x12: {  	s9 =	sadd.s32 $0xFFFFFFFF, s9;
	[sflag:s3] =	ssyncset.done $0x0  }
.LBB2_1:
0x13: {  	p0 =	sne.s32 s9, $0x1;
	s9 =	sadd.s32 $0xFFFFFFFF, s9;
	[sflag:s3] =	ssyncadd.s32 $0xFFFF0000  }
0x14: {  	[tilespmem:s2], [sflag:$0x2] =	stream.linear.gather [hbm4b:s4+s2], $0x200, $0x38;
	[tilespmem:$0x10200] =	vst v63  }
0x15: {  	_ =	swait.ge [sflag:s3], $0x200  }
0x16: {  	[sflag:s3] =	ssyncset.done $0x0  }
0x17: {  	[sflag:s3] =	ssyncadd.s32 $0xFFFFFE00  }
0x18: {  	[tilespmem:s6], [sflag:$0x1] =	stream.indirect.gather [hbm4b:s5+s6], $0x80, s2, s6, $0xb8;
	[tilespmem:$0x10200] =	vst v63  }
0x19: {  	_ =	swait.ge [sflag:s7], $0x10000  }
.Ltmp1:
0x1a: {  	[sflag:s7] =	ssyncset.done $0x0;
	(pc) =	sbr.rel @p0 .LBB2_1-.Ltmp1, $4  }
0x1b: {  	[sflag:s7] =	ssyncadd.s32 $0xFFFF0000  }
0x1c: {  	[hbm4b:s8+s2] =	stream.linear.scatter [tilespmem:s6], [sflag:$0x2], $0x10000, $0x38;
	[tilespmem:$0x10200] =	vst v63  }
0x1d: {  	_ =	swait.ge [sflag:s3], $0x10000  }
0x1e: {  	[sflag:s3] =	ssyncset.done $0x0  }
.LBB2_2:
0x1f: {  	[sflag:s3] =	ssyncadd.s32 $0xFFFF0000  }
0x20: {  	_ =	sfence.sel $0x180000  }
0x21: {  	[bflag:$0x0] =	sbarrier.arrive $0xFFFF  }
0x22: {  	p0 =	sne.s32 s0, $0x0;
	_ =	strace $0x9000004D  }
0x23: {  	s0 =	sadd.s32 @!p0 $0x100000, s1;
	[bflag:$0x2] =	sbarrier.arrive $0xFFFF  }
0x24: {  	[sflag:s0] =	ssyncadd.tile.s32 @!p0 $0x1;
	_ =	shalt  }
.Lfunc_end2:
_tile_overlayer_lowered:
.L_overlay_start_2:
0x25: {  	(tag) =	ssettag $0x2  }
0x26: {  	s0 =	rddreg [dreg:$0x0];
	s2 =	stileid.u32  }
0x27: {  	s1 =	rddreg [dreg:$0x1];
	p0 =	sne.s32 s2, $0x0  }
0x28: {  	s3 =	rddreg [dreg:$0x2];
	[bflag:$0x3] =	sbarrier.arrive $0xFFFF;
	s2 =	simm.s32 @!p0 $0x1C02  }
0x29: {  	[timem:s3], [sflag:s2] =	dma.local @!p0 [hbm:s0], s1  }
0x2a: {  	s0 =	simm.s32 @!p0 $0x2  }
0x2b: {  	_ =	swait.ge @!p0 [sflag:s0], s1  }
0x2c: {  	s1 =	ssub.s32 @!p0 $0x0, s1;
	[sflag:s0] =	ssyncset.done @!p0 $0x0  }
0x2d: {  	[sflag:s0] =	ssyncadd.s32 @!p0 s1  }
0x2e: {  	[bflag:$0x3] =	sbarrier.arrive $0xFFFF  }
0x2f: {  	_ =	shalt  }

// kernel: kernel.9.cloned.1.call-start
scs
__scs_entry_jumppad:
0x0: {  	(pc) =	sbr.rel $0x88, $3  }
0x1: {  	(tag) =	ssettag $0x0;
	lr =	simm.s32 $0x1  }
0x2: {  	[smem:$0x3F9F] =	sst lr;
	_ =	strace $0xD0000000  }
0x3: {  	_ = 	snop  }
0x4: {  	_ = 	snop  }
0x5: {  	_ = 	snop  }
0x6: {  	_ = 	snop  }
0x7: {  	_ = 	snop  }
__scs_overlays_trampoline_lowered:
0x8: {  	[smem:$0x3FAE] =	sst s0  }
0x9: {  	[smem:$0x3FAF] =	sst s1  }
0xa: {  	[smem:$0x3FB0] =	sst s2  }
0xb: {  	[smem:$0x3FB1] =	sst s3  }
0xc: {  	[smem:$0x3FB2] =	sst s4  }
0xd: {  	[smem:$0x3FB3] =	sst s5  }
0xe: {  	[smem:$0x3FB4] =	sst s6  }
0xf: {  	[smem:$0x3FB5] =	sst s7  }
0x10: {  	[smem:$0x3FB6] =	sst s8  }
0x11: {  	[smem:$0x3FB7] =	sst s9;
	s0 =	simm.s32 @!p0 $0x0  }
0x12: {  	s1 =	sld [smem:$0x3F9D];
	s0 =	simm.s32 @p0 $0x1  }
0x13: {  	[smem:$0x3FB8] =	sst s0;
	s0 =	simm.s32 @!p1 $0x0  }
0x14: {  	s2 =	sld [smem:$0x3F9C];
	s0 =	simm.s32 @p1 $0x1  }
0x15: {  	[smem:$0x3FB9] =	sst s0;
	s0 =	simm.s32 @!p2 $0x0  }
0x16: {  	s3 =	sld [smem:$0x3FDB];
	s0 =	simm.s32 @p2 $0x1  }
0x17: {  	s4 =	simm.s32 $0x1BF5;
	[smem:$0x3FBB] =	sst s0  }
0x18: {  	s0 =	sld [smem:$0x3F9E];
	_ =	swait.ge [sflag:s4], $0x0  }
0x19: {  	s7 =	sld [smem:$0x3F9F]  }
0x1a: {  	s8 =	sadd.s32 $0xFFFFE003, lr  }
0x1b: {  	s9 =	sadd.s32 $0xFFFFFEF7, lr;
	s5 =	simm.s32 $0xFFFFFFFF;
	p2 =	slt.u32 s8, $0xFFFFF086  }
0x1c: {  	p1 =	slt.u32 s9, $0xF7A;
	s5 =	simm.s32 @!p2 $0x0  }
0x1d: {  	s5 =	simm.s32 @p1 $0x1;
	p0 =	seq.s32 s7, s2  }
0x1e: {  	s7 =	smul.u32 @!p0 $0xF7A, s2;
	p2 =	seq.s32 @!p0 s5, $0x0  }
0x1f: {  	s9 =	smul.u32 $0xF7A, s1;
	s8 =	simm.s32 @!p0 $0x1BF5;
	p2 =	por !p2, p0  }
0x20: {  	[sflag:s8] =	ssyncset.s32 @!p0 $0xFFFFF086;
	s6 =	sadd.s32 @!p0 s3, s7;
	s7 =	simm.s32 @!p0 $0x108  }
0x21: {  	s3 =	sadd.s32 s3, s9;
	s6 =	sadd.s32 @!p0 $0x88, s6;
	s7 =	simm.s32 @p2 $0x1082  }
0x22: {  	[simem:s7], [sflag:s8] =	dma.local @!p0 [hbm:s6], $0xF7A  }
0x23: {  	s9 =	sor.u32 $0xD0000000, s2;
	s6 =	simm.s32 $0x108;
	_ =	swait.ge @!p0 [sflag:s8], $0x0  }
0x24: {  	s3 =	sadd.s32 $0x88, s3;
	s6 =	simm.s32 @!p1 $0x1082;
	[sflag:s4] =	ssyncset.s32 $0xFFFFF086  }
0x25: {  	[simem:s6], [sflag:s4] =	dma.local [hbm:s3], $0xF7A  }
0x26: {  	[smem:$0x3F9F] =	sst s1;
	(tag) =	ssettag s2;
	_ =	strace s9  }
0x27: {  	s1 =	sld [smem:$0x3FAF]  }
0x28: {  	s2 =	sld [smem:$0x3FB0]  }
0x29: {  	s4 =	sld [smem:$0x3FB2]  }
0x2a: {  	p0 =	seq.s32 s5, $0x0;
	s5 =	sld [smem:$0x3FB3]  }
0x2b: {  	s6 =	sld [smem:$0x3FB4]  }
0x2c: {  	s7 =	sld [smem:$0x3FB5]  }
0x2d: {  	s3 =	simm.s32 $0x108;
	s8 =	sld [smem:$0x3FB6]  }
0x2e: {  	s3 =	simm.s32 @!p0 $0x1082;
	s9 =	sld [smem:$0x3FB7]  }
0x2f: {  	lr =	sadd.s32 s0, s3;
	s0 =	sld [smem:$0x3FAE]  }
0x30: {  	s3 =	sld [smem:$0x3FB1]  }
0x31: {  	[smem:$0x3FBA] =	sst s10  }
0x32: {  	s10 =	sld [smem:$0x3FB8];
	_ =	sdelay $0x3  }
0x33: {  	p0 =	seq.s32 s10, $0x1;
	s10 =	sld [smem:$0x3FBA];
	_ =	sdelay $0x3  }
0x34: {  	[smem:$0x3FBA] =	sst s10  }
0x35: {  	s10 =	sld [smem:$0x3FB9];
	_ =	sdelay $0x3  }
0x36: {  	p1 =	seq.s32 s10, $0x1;
	s10 =	sld [smem:$0x3FBA];
	_ =	sdelay $0x3  }
0x37: {  	[smem:$0x3FBA] =	sst s10  }
0x38: {  	s10 =	sld [smem:$0x3FBB]  }
0x39: {  	_ = 	snop;
	(pc) =	sbr.ind lr, $3  }
0x3a: {  	_ = 	snop  }
0x3b: {  	_ = 	snop  }
0x3c: {  	p2 =	seq.s32 s10, $0x1;
	s10 =	sld [smem:$0x3FBA]  }
0x3d: {  	_ =	shalt  }
0x3e: {  	_ =	shalt  }
0x3f: {  	_ =	shalt  }
0x40: {  	_ =	shalt  }
0x41: {  	_ =	shalt  }
0x42: {  	_ =	shalt  }
0x43: {  	_ =	shalt  }
0x44: {  	_ =	shalt  }
0x45: {  	_ =	shalt  }
0x46: {  	_ =	shalt  }
0x47: {  	_ =	shalt  }
0x48: {  	_ =	shalt  }
0x49: {  	_ =	shalt  }
0x4a: {  	_ =	shalt  }
0x4b: {  	_ =	shalt  }
0x4c: {  	_ =	shalt  }
0x4d: {  	_ =	shalt  }
0x4e: {  	_ =	shalt  }
0x4f: {  	_ =	shalt  }
0x50: {  	_ =	shalt  }
0x51: {  	_ =	shalt  }
0x52: {  	_ =	shalt  }
0x53: {  	_ =	shalt  }
0x54: {  	_ =	shalt  }
0x55: {  	_ =	shalt  }
0x56: {  	_ =	shalt  }
0x57: {  	_ =	shalt  }
0x58: {  	_ =	shalt  }
0x59: {  	_ =	shalt  }
0x5a: {  	_ =	shalt  }
0x5b: {  	_ =	shalt  }
0x5c: {  	_ =	shalt  }
0x5d: {  	_ =	shalt  }
0x5e: {  	_ =	shalt  }
0x5f: {  	_ =	shalt  }
0x60: {  	_ =	shalt  }
0x61: {  	_ =	shalt  }
0x62: {  	_ =	shalt  }
0x63: {  	_ =	shalt  }
0x64: {  	_ =	shalt  }
0x65: {  	_ =	shalt  }
0x66: {  	_ =	shalt  }
0x67: {  	_ =	shalt  }
0x68: {  	_ =	shalt  }
0x69: {  	_ =	shalt  }
0x6a: {  	_ =	shalt  }
0x6b: {  	_ =	shalt  }
0x6c: {  	_ =	shalt  }
0x6d: {  	_ =	shalt  }
0x6e: {  	_ =	shalt  }
0x6f: {  	_ =	shalt  }
0x70: {  	_ =	shalt  }
0x71: {  	_ =	shalt  }
0x72: {  	_ =	shalt  }
0x73: {  	_ =	shalt  }
0x74: {  	_ =	shalt  }
0x75: {  	_ =	shalt  }
0x76: {  	_ =	shalt  }
0x77: {  	_ =	shalt  }
0x78: {  	_ =	shalt  }
0x79: {  	_ =	shalt  }
0x7a: {  	_ =	shalt  }
0x7b: {  	_ =	shalt  }
0x7c: {  	_ =	shalt  }
0x7d: {  	_ =	shalt  }
0x7e: {  	_ =	shalt  }
0x7f: {  	_ =	shalt  }
0x80: {  	_ =	shalt  }
0x81: {  	_ =	shalt  }
0x82: {  	_ =	shalt  }
0x83: {  	_ =	shalt  }
0x84: {  	_ =	shalt  }
0x85: {  	_ =	shalt  }
0x86: {  	_ =	shalt  }
0x87: {  	_ =	shalt  }
.Lfunc_end0:
.L_simem_size_0:
called_computation_lowered:
.L_overlay_start_0:
0x88: {  	s2 =	sld [smem:$0x3FD9]  }
0x89: {  	s3 =	sld [smem:$0x3FFE];
	_ =	sdelay $0x1  }
0x8a: {  	s1 =	srdreg.scid  }
0x8b: {  	s0 =	sand.u32 $0x1, s1  }
0x8c: {  	s17 =	sshll.u32 s0, $0xA;
	s2 =	sadd.s32 s3, s2  }
0x8d: {  	s2 =	sadd.s32 s2, s17  }
0x8e: {  	[smem:$0x3FC6] =	sst s2  }
0x8f: {  	_ = 	snop  }
0x90: {  	s2 =	sld [smem:$0x3FD0];
	(tm) =	ssettm $0x1  }
0x91: {  	s18 =	sld [smem:$0x3FFB];
	_ =	sdelay $0x3  }
0x92: {  	_ =	strace s18  }
0x93: {  	s3 =	sld [smem:$0x3FFC];
	_ =	sdelay $0x3  }
0x94: {  	_ =	strace s3  }
0x95: {  	s3 =	sld [smem:$0x3FFD];
	_ =	sdelay $0x3  }
0x96: {  	_ =	strace s3  }
0x97: {  	_ =	strace $0x8FFFFFFF  }
0x98: {  	s19 =	sld [smem:$0x3FDB];
	_ =	sdelay $0x1  }
0x99: {  	s4 =	simm.s32 $_scs_section_size  }
0x9a: {  	s5 =	simm.s32 $_size__tile_overlayer_lowered;
	s6 =	simm.s32 $_tile_overlayer_lowered  }
0x9b: {  	s22 =	simm.s32 $0x1BFF;
	s21 =	sshll.u32 s6, $0x1;
	s3 =	sadd.s32 s4, s19  }
0x9c: {  	s7 =	simm.s32 $0x0;
	s20 =	sshll.u32 s5, $0x1;
	s5 =	sadd.s32 s21, s3  }
0x9d: {  	[timem:s7], [sflag:s22] =	dma.local [hbm:s5], s20  }
0x9e: {  	_ =	swait.ge [sflag:s22], s20  }
0x9f: {  	s4 =	ssub.s32 $0x0, s20;
	[sflag:s22] =	ssyncset.done $0x0  }
0xa0: {  	[sflag:s22] =	ssyncadd.s32 s4;
	_ =	sdelay $0x1  }
0xa1: {  	s23 =	simm.s32 $0x1B8B  }
0xa2: {  	_ =	swait.ge [sflag:s23], $0x1  }
0xa3: {  	[sflag:s23] =	ssyncset.done $0x0  }
0xa4: {  	s25 =	simm.s32 $0x1B8E;
	s24 =	sld [smem:$0x3FFE];
	[sflag:s23] =	ssyncadd.s32 $0xFFFFFFFF  }
0xa5: {  	s26 =	simm.s32 $execute0_lowered;
	[smem:$0x3FD2] =	sst s25  }
0xa6: {  	s5 =	sshll.u32 s26, $0x1;
	_ =	strace $0x80000046;
	[dreg:$0x1] =	wrdreg $0xFFFFFFFF  }
0xa7: {  	s28 =	simm.s32 $_size_execute0_lowered;
	s3 =	sadd.s32 s3, s5;
	[dreg:$0x0] =	wrdreg $0x0  }
0xa8: {  	s5 =	sshll.u32 s28, $0x1;
	[dreg:$0x2] =	wrdreg s3  }
0xa9: {  	[dreg:$0x3] =	wrdreg s5  }
0xaa: {  	[dreg:$0x4] =	wrdreg $0xC0  }
0xab: {  	_ =	task [dreg:s7], $0x5FFFF  }
0xac: {  	[dreg:$0x1] =	wrdreg $0xFFFFFFFF  }
0xad: {  	[dreg:$0x0] =	wrdreg $0x60  }
0xae: {  	[dreg:$0x2] =	wrdreg s24  }
0xaf: {  	[dreg:$0x3] =	wrdreg s2  }
0xb0: {  	[dreg:$0x4] =	wrdreg $0x9  }
0xb1: {  	_ =	task.clear_ibuf [dreg:s7], $0x5FFFF;
	_ =	strace $0x90000046  }
0xb2: {  	s29 =	simm.s32 $0x9;
	_ =	strace $0x80000048  }
0xb3: {  	_ =	swait.ge [sflag:s29], $0x1  }
0xb4: {  	[sflag:s29] =	ssyncadd.s32 $0xFFFFFFFF  }
0xb5: {  	_ =	strace $0x90000048  }
0xb6: {  	_ =	sfence  }
0xb7: {  	s30 =	sld [smem:$0x0];
	_ =	sdelay $0x2  }
0xb8: {  	s31 =	sshll.u32 s1, $0xD;
	s1 =	sshrl.u32 s1, $0x2  }
0xb9: {  	s3 =	sand.u32 $0x4000, s31;
	s1 =	sadd.s32 s1, s30  }
0xba: {  	s0 =	sor.u32 s3, s0;
	s1 =	sshll.u32 s1, $0x11  }
0xbb: {  	s0 =	sor.u32 s1, s0  }
0xbc: {  	s0 =	sadd.s32 $0x8F2B, s0  }
0xbd: {  	[sflag:s0] =	ssyncadd.remote.s32 $0x1  }
0xbe: {  	_ =	sfence.sel $0xFFFF  }
0xbf: {  	[dreg:$0x0] =	wrdreg $0xFFFFFFFF;
	(pc) =	sbr.abs _section_cstart, $3  }
0xc0: {  	[dreg:$0x1] =	wrdreg $0xFFFFFFFF  }
0xc1: {  	_ =	task.clear_ibuf [dreg:s7], $0x2FFFF;
	_ =	strace $0x9FFFFFFF  }
0xc2: {  	(tm) =	ssettm $0x7FFFFFFF  }
0xc3: {  	_ =	shalt  }
tec
execute0_lowered:
.L_overlay_start_1:
0x0: {  	(tag) =	ssettag $0x1  }
0x1: {  	s1 =	srdreg.scid  }
0x2: {  	s8 =	rddreg [dreg:$0x0];
	s0 =	stileid.u32  }
0x3: {  	s3 =	rddreg [dreg:$0x1];
	s2 =	simm.s32 $0x0;
	s6 =	sand.u32 $0x1, s1  }
0x4: {  	s4 =	sshll.u32 s0, $0xA;
	s1 =	rddreg [dreg:$0x2];
	s5 =	sshll.u32 s6, $0x9  }
0x5: {  	s7 =	simm.s32 $0x1;
	[smem:$0x7FF] =	sst s2;
	s9 =	sor.u32 s5, s4  }
0x6: {  	_ =	strace $0x80000047;
	s10 =	ssub.s32 $0x2, s6;
	s4 =	sshrl.u32 s9, $0x3  }
0x7: {  	s6 =	simm.s32 $0x200;
	s4 =	sadd.s32 s3, s4;
	s3 =	simm.s32 $0x2  }
0x8: {  	[tilespmem:s2], [sflag:$0x2] =	stream.linear.gather [hbm4b:s4+s2], $0x200, $0x38;
	[tilespmem:$0x10200] =	vst v63  }
0x9: {  	s5 =	sadd.s32 $0x82200, s8;
	s11 =	sshrl.u32 s10, $0x1;
	_ =	swait.ge [sflag:s3], $0x200  }
0xa: {  	s9 =	sshll.u32 s9, $0x4;
	s31 =	ssub.s32 s10, s11;
	[sflag:s3] =	ssyncset.done $0x0  }
0xb: {  	s8 =	sadd.s32 s9, s8;
	s9 =	smax.u32 s31, $0x1;
	[sflag:s3] =	ssyncadd.s32 $0xFFFFFE00  }
0xc: {  	[tilespmem:s6], [sflag:$0x1] =	stream.indirect.gather [hbm4b:s5+s6], $0x80, s2, s6, $0xb8;
	[tilespmem:$0x10200] =	vst v63  }
0xd: {  	p0 =	sne.s32 s9, $0x1;
	_ =	swait.ge [sflag:s7], $0x10000  }
.Ltmp0:
0xe: {  	[sflag:s7] =	ssyncset.done $0x0;
	(pc) =	sbr.rel @!p0 .LBB2_2-.Ltmp0, $4  }
0xf: {  	s8 =	sadd.s32 $0x2200, s8;
	[sflag:s7] =	ssyncadd.s32 $0xFFFF0000  }
0x10: {  	[hbm4b:s8+s2] =	stream.linear.scatter [tilespmem:s6], [sflag:$0x2], $0x10000, $0x38;
	[tilespmem:$0x10200] =	vst v63  }
0x11: {  	_ =	swait.ge [sflag:s3], $0x10000  }
0x12: {  	s9 =	sadd.s32 $0xFFFFFFFF, s9;
	[sflag:s3] =	ssyncset.done $0x0  }
.LBB2_1:
0x13: {  	p0 =	sne.s32 s9, $0x1;
	s9 =	sadd.s32 $0xFFFFFFFF, s9;
	[sflag:s3] =	ssyncadd.s32 $0xFFFF0000  }
0x14: {  	[tilespmem:s2], [sflag:$0x2] =	stream.linear.gather [hbm4b:s4+s2], $0x200, $0x38;
	[tilespmem:$0x10200] =	vst v63  }
0x15: {  	_ =	swait.ge [sflag:s3], $0x200  }
0x16: {  	[sflag:s3] =	ssyncset.done $0x0  }
0x17: {  	[sflag:s3] =	ssyncadd.s32 $0xFFFFFE00  }
0x18: {  	[tilespmem:s6], [sflag:$0x1] =	stream.indirect.gather [hbm4b:s5+s6], $0x80, s2, s6, $0xb8;
	[tilespmem:$0x10200] =	vst v63  }
0x19: {  	_ =	swait.ge [sflag:s7], $0x10000  }
.Ltmp1:
0x1a: {  	[sflag:s7] =	ssyncset.done $0x0;
	(pc) =	sbr.rel @p0 .LBB2_1-.Ltmp1, $4  }
0x1b: {  	[sflag:s7] =	ssyncadd.s32 $0xFFFF0000  }
0x1c: {  	[hbm4b:s8+s2] =	stream.linear.scatter [tilespmem:s6], [sflag:$0x2], $0x10000, $0x38;
	[tilespmem:$0x10200] =	vst v63  }
0x1d: {  	_ =	swait.ge [sflag:s3], $0x10000  }
0x1e: {  	[sflag:s3] =	ssyncset.done $0x0  }
.LBB2_2:
0x1f: {  	[sflag:s3] =	ssyncadd.s32 $0xFFFF0000  }
0x20: {  	_ =	sfence.sel $0x180000  }
0x21: {  	[bflag:$0x0] =	sbarrier.arrive $0xFFFF  }
0x22: {  	p0 =	sne.s32 s0, $0x0;
	_ =	strace $0x90000047  }
0x23: {  	s0 =	sadd.s32 @!p0 $0x100000, s1;
	[bflag:$0x2] =	sbarrier.arrive $0xFFFF  }
0x24: {  	[sflag:s0] =	ssyncadd.tile.s32 @!p0 $0x1;
	_ =	shalt  }
.Lfunc_end2:
_tile_overlayer_lowered:
.L_overlay_start_2:
0x25: {  	(tag) =	ssettag $0x2  }
0x26: {  	s0 =	rddreg [dreg:$0x0];
	s2 =	stileid.u32  }
0x27: {  	s1 =	rddreg [dreg:$0x1];
	p0 =	sne.s32 s2, $0x0  }
0x28: {  	s3 =	rddreg [dreg:$0x2];
	[bflag:$0x3] =	sbarrier.arrive $0xFFFF;
	s2 =	simm.s32 @!p0 $0x1C02  }
0x29: {  	[timem:s3], [sflag:s2] =	dma.local @!p0 [hbm:s0], s1  }
0x2a: {  	s0 =	simm.s32 @!p0 $0x2  }
0x2b: {  	_ =	swait.ge @!p0 [sflag:s0], s1  }
0x2c: {  	s1 =	ssub.s32 @!p0 $0x0, s1;
	[sflag:s0] =	ssyncset.done @!p0 $0x0  }
0x2d: {  	[sflag:s0] =	ssyncadd.s32 @!p0 s1  }
0x2e: {  	[bflag:$0x3] =	sbarrier.arrive $0xFFFF  }
0x2f: {  	_ =	shalt  }

</sc_bundles>
